<compile_context>
chip_gen: v7x
topology: tpu7x:2x2x1
jax: 0.10.2.dev20260603
libtpu: 0.0.44.dev20260713+nightly
codegen_flags: <defaults>
</compile_context>

<pallas_src>
import functools

import jax
import jax.numpy as jnp
from jax import lax
from jax.experimental import pallas as pl
from jax.experimental.pallas import tpu as pltpu
from jax.experimental.pallas import tpu_sc as plsc

_F = 26
_V = 100000
_D = 64
_B = 16384

_NC = 2
_NS = 16
_NW = _NC * _NS

_LOOKUPS = _B * _F
_PER_W = _LOOKUPS // _NW
_CH = 128
_NCH = _PER_W // _CH
_K = 4
_NSTEP = _NCH // _K
_NBLK = _LOOKUPS // _CH
_LANES = 16

_VB = 2048


def _transpose_body(src_ref, dst_ref):
    dst_ref[0, :, 0:_D] = jnp.swapaxes(src_ref[0], 0, 1)


def _relayout(emb):
    embt = emb.transpose(0, 2, 1)
    grid = (_F, pl.cdiv(_V, _VB))
    padded = pl.pallas_call(
        _transpose_body,
        grid=grid,
        in_specs=[pl.BlockSpec((1, _D, _VB), lambda f, j: (f, 0, j))],
        out_specs=pl.BlockSpec((1, _VB, 2 * _D), lambda f, j: (f, j, 0)),
        out_shape=jax.ShapeDtypeStruct((_F, _V, 2 * _D), jnp.float32),
        compiler_params=pltpu.CompilerParams(
            dimension_semantics=("arbitrary", "arbitrary"),
        ),
    )(embt)
    return padded.reshape(_F * _V * 2, _D)


def _gather_body(x_hbm, tab_hbm, out_hbm, xv, rows0, rows1, sg0, sg1, sw0, sw1):
    wid = lax.axis_index("s") * _NC + lax.axis_index("c")
    blk_base = wid * _NCH

    pltpu.sync_copy(x_hbm.at[wid], xv)

    lane = lax.broadcasted_iota(jnp.int32, (_LANES,), 0)

    def add_offsets(r, carry):
        for c in range(_CH // _LANES):
            q0 = r * _CH + c * _LANES
            pos = lane + q0
            field = lax.rem(pos, _F)
            sl = pl.ds(c * _LANES, _LANES)
            xv[r, sl] = (xv[r, sl] + field * _V) * 2
        return carry

    lax.fori_loop(0, _NCH, add_offsets, 0)

    def fire(g, rows, sg):
        return [
            pltpu.async_copy(tab_hbm.at[xv.at[g * _K + kk]], rows.at[kk], sg)
            for kk in range(_K)
        ]

    def wait_wb(rows, sw):
        pltpu.make_async_copy(rows, out_hbm.at[pl.ds(0, _K)], sw).wait()

    def step(g, rows, sg, sw, first):
        if not first:
            wait_wb(rows, sw)
        for c in fire(g, rows, sg):
            c.wait()
        pltpu.async_copy(rows, out_hbm.at[pl.ds(blk_base + g * _K, _K)], sw)

    step(0, rows0, sg0, sw0, True)
    step(1, rows1, sg1, sw1, True)

    def pair(m, carry):
        g = 2 + 2 * m
        step(g, rows0, sg0, sw0, False)
        step(g + 1, rows1, sg1, sw1, False)
        return carry

    lax.fori_loop(0, (_NSTEP - 2) // 2, pair, 0)

    wait_wb(rows0, sw0)
    wait_wb(rows1, sw1)


def kernel(x, emb):
    xr = x.astype(jnp.int32).reshape(_NW, _NCH, _CH)
    tab = _relayout(emb)
    mesh = plsc.VectorSubcoreMesh(core_axis_name="c", subcore_axis_name="s")
    k = functools.partial(
        pl.kernel,
        mesh=mesh,
        out_type=jax.ShapeDtypeStruct((_NBLK, _CH, _D), jnp.float32),
        compiler_params=pltpu.CompilerParams(use_tc_tiling_on_sc=False),
        scratch_types=[
            pltpu.VMEM((_NCH, _CH), jnp.int32),
            pltpu.VMEM((_K, _CH, _D), jnp.float32),
            pltpu.VMEM((_K, _CH, _D), jnp.float32),
            pltpu.SemaphoreType.DMA,
            pltpu.SemaphoreType.DMA,
            pltpu.SemaphoreType.DMA,
            pltpu.SemaphoreType.DMA,
        ],
    )(_gather_body)
    out = k(xr, tab)
    return out.reshape(_B, _F * _D)

# --- scband reference (transcript-rebuilt; emitter-appended) ---
"""Pipeline reference for scband-base-48129403518993 (READ-ONLY COPY).

The authoritative reference and input builder live on the scoring server;
editing this copy changes nothing except your own understanding.
"""

import jax, jax.numpy as jnp
import numpy as np

NUM_FIELDS = 26
VOCAB = 100000
EMBED_DIM = 64
BATCH = 16384


def setup_inputs(seed: int = 0) -> dict:
    key = jax.random.key(seed)
    k_idx, k_emb = jax.random.split(key)
    x = jax.random.randint(k_idx, (BATCH, NUM_FIELDS), 0, VOCAB, dtype=jnp.int64)
    # one embedding table per sparse field (share_embeddings=False), stacked
    emb = jax.random.normal(k_emb, (NUM_FIELDS, VOCAB, EMBED_DIM), dtype=jnp.float32)
    return {"x": x, "emb": emb}


def reference(x, emb):
    # Faithful translation of Base.embed_input with share_embeddings=False and
    # non_embedded_input_dim == 0:
    #   embs = [embs[i][x[:, i].long()] for i, _ in enumerate(self.vocab_size)]
    #   return torch.cat(embs, dim=1)
    parts = [emb[i][x[:, i]] for i in range(NUM_FIELDS)]
    return jnp.concatenate(parts, axis=1)

if __name__ == "__main__":
    import jax
    _d = setup_inputs()
    print(jax.jit(kernel)(*tuple(_d.values())))

</pallas_src>

<mosaic_0001>
#map = affine_map<(d0, d1) -> (0, 0, 0)>
#map1 = affine_map<(d0, d1) -> (0, 0)>
module attributes {stable_mosaic.version = 14 : i64} {
  func.func @_gather_body(%arg0: i32, %arg1: i32, %arg2: memref<32x104x128xi32, #tpu.memory_space<hbm>>, %arg3: memref<5200000x64xf32, #tpu.memory_space<hbm>>, %arg4: memref<3328x128x64xf32, #tpu.memory_space<hbm>>, %arg5: memref<104x128xi32, #tpu.memory_space<vmem>>, %arg6: memref<4x128x64xf32, #tpu.memory_space<vmem>>, %arg7: memref<4x128x64xf32, #tpu.memory_space<vmem>>, %arg8: memref<!tpu.dma_semaphore, #tpu.memory_space<semaphore_mem>>, %arg9: memref<!tpu.dma_semaphore, #tpu.memory_space<semaphore_mem>>, %arg10: memref<!tpu.dma_semaphore, #tpu.memory_space<semaphore_mem>>, %arg11: memref<!tpu.dma_semaphore, #tpu.memory_space<semaphore_mem>>) attributes {dimension_semantics = [#tpu.dimension_semantics<core_parallel>, #tpu.dimension_semantics<subcore_parallel>], iteration_bounds = array<i64: 2, 16>, scalar_prefetch = 0 : i64, scratch_operands = 7 : i64, tpu.core_type = #tpu.core_type<sc_vector_subcore>, window_params = [{transform_indices = #map}, {transform_indices = #map1}, {transform_indices = #map}]} {
    %mul3A = arith.constant 2 : i32
    %mul3A_0 = arith.muli %arg1, %mul3A : i32
    %add3A = arith.addi %mul3A_0, %arg0 : i32
    %mul3A_1 = arith.constant 104 : i32
    %mul3A_2 = arith.muli %add3A, %mul3A_1 : i32
    "tpu.region"() ({
      %run_scoped3A = tpu.sem_alloc : memref<!tpu.dma_semaphore, #tpu.memory_space<semaphore_mem>>
      %dma_start3A_236 = arith.constant 0 : i32
      %dma_start3A_237 = arith.constant 0 : i32
      %dma_start3A_238 = tpu.memref_slice %arg2[%add3A, %dma_start3A_236, %dma_start3A_237] : memref<32x104x128xi32, #tpu.memory_space<hbm>> -> memref<1x104x128xi32, #tpu.memory_space<hbm>>
      %dma_start3A_239 = tpu.memref_squeeze %dma_start3A_238 : memref<1x104x128xi32, #tpu.memory_space<hbm>> -> memref<104x128xi32, #tpu.memory_space<hbm>>
      %dma_start3A_240 = arith.constant 0 : i32
      %dma_start3A_241 = arith.constant 0 : i32
      %dma_start3A_242 = tpu.memref_slice %arg2[%add3A, %dma_start3A_240, %dma_start3A_241] : memref<32x104x128xi32, #tpu.memory_space<hbm>> -> memref<1x104x128xi32, #tpu.memory_space<hbm>>
      %dma_start3A_243 = tpu.memref_squeeze %dma_start3A_242 : memref<1x104x128xi32, #tpu.memory_space<hbm>> -> memref<104x128xi32, #tpu.memory_space<hbm>>
      tpu.enqueue_dma source(%dma_start3A_243 : memref<104x128xi32, #tpu.memory_space<hbm>>) target(%arg5 : memref<104x128xi32, #tpu.memory_space<vmem>>) target_semaphore(%run_scoped3A : memref<!tpu.dma_semaphore, #tpu.memory_space<semaphore_mem>>)
      %dma_wait3A_244 = arith.constant 0 : i32
      %dma_wait3A_245 = arith.constant 0 : i32
      %dma_wait3A_246 = tpu.memref_slice %arg2[%add3A, %dma_wait3A_244, %dma_wait3A_245] : memref<32x104x128xi32, #tpu.memory_space<hbm>> -> memref<1x104x128xi32, #tpu.memory_space<hbm>>
      %dma_wait3A_247 = tpu.memref_squeeze %dma_wait3A_246 : memref<1x104x128xi32, #tpu.memory_space<hbm>> -> memref<104x128xi32, #tpu.memory_space<hbm>>
      %dma_wait3A_248 = arith.constant 0 : i32
      %dma_wait3A_249 = arith.constant 0 : i32
      %dma_wait3A_250 = tpu.memref_slice %arg2[%add3A, %dma_wait3A_248, %dma_wait3A_249] : memref<32x104x128xi32, #tpu.memory_space<hbm>> -> memref<1x104x128xi32, #tpu.memory_space<hbm>>
      %dma_wait3A_251 = tpu.memref_squeeze %dma_wait3A_250 : memref<1x104x128xi32, #tpu.memory_space<hbm>> -> memref<104x128xi32, #tpu.memory_space<hbm>>
      tpu.wait_dma2 semaphore(%run_scoped3A : memref<!tpu.dma_semaphore, #tpu.memory_space<semaphore_mem>>) src(%dma_wait3A_251 : memref<104x128xi32, #tpu.memory_space<hbm>>) dst(%arg5 : memref<104x128xi32, #tpu.memory_space<vmem>>)
      tpu.yield
    }) : () -> ()
    %iota3A = tpu.iota {dimensions = array<i32: 0>} : vector<16xi32>
    %scan3A = arith.constant 0 : i32
    %scan3A_3 = arith.constant 0 : i32
    %scan3A_4 = arith.constant 104 : i32
    %scan3A_5 = arith.addi %scan3A_3, %scan3A_4 : i32
    %scan3A_6 = arith.constant 1 : i32
    scf.for %scan3A_236 = %scan3A_3 to %scan3A_5 step %scan3A_6  : i32 {
      %mul3A_237 = arith.constant 128 : i32
      %mul3A_238 = arith.muli %scan3A_236, %mul3A_237 : i32
      %add3A_239 = arith.constant 0 : i32
      %add3A_240 = arith.addi %mul3A_238, %add3A_239 : i32
      %add3A_241 = vector.broadcast %add3A_240 : i32 to vector<16xi32>
      %add3A_242 = arith.addi %iota3A, %add3A_241 : vector<16xi32>
      %rem3A = arith.constant 26 : i32
      %rem3A_243 = vector.broadcast %rem3A : i32 to vector<16xi32>
      %rem3A_244 = arith.remsi %add3A_242, %rem3A_243 : vector<16xi32>
      %get3A = arith.index_cast %scan3A_236 : i32 to index
      %get3A_245 = arith.constant 0 : index
      %get3A_246 = tpu.vector_load %arg5[%get3A, %get3A_245] {strides = array<i32>} : memref<104x128xi32, #tpu.memory_space<vmem>>, vector<1x16xi32>,
      %get3A_247 = vector.shape_cast %get3A_246 : vector<1x16xi32> to vector<16xi32>
      %mul3A_248 = arith.constant 100000 : i32
      %mul3A_249 = vector.broadcast %mul3A_248 : i32 to vector<16xi32>
      %mul3A_250 = arith.muli %rem3A_244, %mul3A_249 : vector<16xi32>
      %add3A_251 = arith.addi %get3A_247, %mul3A_250 : vector<16xi32>
      %mul3A_252 = arith.constant 2 : i32
      %mul3A_253 = vector.broadcast %mul3A_252 : i32 to vector<16xi32>
      %mul3A_254 = arith.muli %add3A_251, %mul3A_253 : vector<16xi32>
      %swap3A = arith.index_cast %scan3A_236 : i32 to index
      %swap3A_255 = arith.constant 0 : index
      %swap3A_256 = tpu.vector_load %arg5[%swap3A, %swap3A_255] {strides = array<i32>} : memref<104x128xi32, #tpu.memory_space<vmem>>, vector<1x16xi32>,
      %swap3A_257 = vector.shape_cast %swap3A_256 : vector<1x16xi32> to vector<16xi32>
      %swap3A_258 = vector.shape_cast %mul3A_254 : vector<16xi32> to vector<1x16xi32>
      tpu.vector_store %arg5[%swap3A, %swap3A_255], %swap3A_258 {strides = array<i32>} : memref<104x128xi32, #tpu.memory_space<vmem>>, vector<1x16xi32>,
      %mul3A_259 = arith.constant 128 : i32
      %mul3A_260 = arith.muli %scan3A_236, %mul3A_259 : i32
      %add3A_261 = arith.constant 16 : i32
      %add3A_262 = arith.addi %mul3A_260, %add3A_261 : i32
      %add3A_263 = vector.broadcast %add3A_262 : i32 to vector<16xi32>
      %add3A_264 = arith.addi %iota3A, %add3A_263 : vector<16xi32>
      %rem3A_265 = arith.constant 26 : i32
      %rem3A_266 = vector.broadcast %rem3A_265 : i32 to vector<16xi32>
      %rem3A_267 = arith.remsi %add3A_264, %rem3A_266 : vector<16xi32>
      %get3A_268 = arith.index_cast %scan3A_236 : i32 to index
      %get3A_269 = arith.constant 16 : index
      %get3A_270 = tpu.vector_load %arg5[%get3A_268, %get3A_269] {strides = array<i32>} : memref<104x128xi32, #tpu.memory_space<vmem>>, vector<1x16xi32>,
      %get3A_271 = vector.shape_cast %get3A_270 : vector<1x16xi32> to vector<16xi32>
      %mul3A_272 = arith.constant 100000 : i32
      %mul3A_273 = vector.broadcast %mul3A_272 : i32 to vector<16xi32>
      %mul3A_274 = arith.muli %rem3A_267, %mul3A_273 : vector<16xi32>
      %add3A_275 = arith.addi %get3A_271, %mul3A_274 : vector<16xi32>
      %mul3A_276 = arith.constant 2 : i32
      %mul3A_277 = vector.broadcast %mul3A_276 : i32 to vector<16xi32>
      %mul3A_278 = arith.muli %add3A_275, %mul3A_277 : vector<16xi32>
      %swap3A_279 = arith.index_cast %scan3A_236 : i32 to index
      %swap3A_280 = arith.constant 16 : index
      %swap3A_281 = tpu.vector_load %arg5[%swap3A_279, %swap3A_280] {strides = array<i32>} : memref<104x128xi32, #tpu.memory_space<vmem>>, vector<1x16xi32>,
      %swap3A_282 = vector.shape_cast %swap3A_281 : vector<1x16xi32> to vector<16xi32>
      %swap3A_283 = vector.shape_cast %mul3A_278 : vector<16xi32> to vector<1x16xi32>
      tpu.vector_store %arg5[%swap3A_279, %swap3A_280], %swap3A_283 {strides = array<i32>} : memref<104x128xi32, #tpu.memory_space<vmem>>, vector<1x16xi32>,
      %mul3A_284 = arith.constant 128 : i32
      %mul3A_285 = arith.muli %scan3A_236, %mul3A_284 : i32
      %add3A_286 = arith.constant 32 : i32
      %add3A_287 = arith.addi %mul3A_285, %add3A_286 : i32
      %add3A_288 = vector.broadcast %add3A_287 : i32 to vector<16xi32>
      %add3A_289 = arith.addi %iota3A, %add3A_288 : vector<16xi32>
      %rem3A_290 = arith.constant 26 : i32
      %rem3A_291 = vector.broadcast %rem3A_290 : i32 to vector<16xi32>
      %rem3A_292 = arith.remsi %add3A_289, %rem3A_291 : vector<16xi32>
      %get3A_293 = arith.index_cast %scan3A_236 : i32 to index
      %get3A_294 = arith.constant 32 : index
      %get3A_295 = tpu.vector_load %arg5[%get3A_293, %get3A_294] {strides = array<i32>} : memref<104x128xi32, #tpu.memory_space<vmem>>, vector<1x16xi32>,
      %get3A_296 = vector.shape_cast %get3A_295 : vector<1x16xi32> to vector<16xi32>
      %mul3A_297 = arith.constant 100000 : i32
      %mul3A_298 = vector.broadcast %mul3A_297 : i32 to vector<16xi32>
      %mul3A_299 = arith.muli %rem3A_292, %mul3A_298 : vector<16xi32>
      %add3A_300 = arith.addi %get3A_296, %mul3A_299 : vector<16xi32>
      %mul3A_301 = arith.constant 2 : i32
      %mul3A_302 = vector.broadcast %mul3A_301 : i32 to vector<16xi32>
      %mul3A_303 = arith.muli %add3A_300, %mul3A_302 : vector<16xi32>
      %swap3A_304 = arith.index_cast %scan3A_236 : i32 to index
      %swap3A_305 = arith.constant 32 : index
      %swap3A_306 = tpu.vector_load %arg5[%swap3A_304, %swap3A_305] {strides = array<i32>} : memref<104x128xi32, #tpu.memory_space<vmem>>, vector<1x16xi32>,
      %swap3A_307 = vector.shape_cast %swap3A_306 : vector<1x16xi32> to vector<16xi32>
      %swap3A_308 = vector.shape_cast %mul3A_303 : vector<16xi32> to vector<1x16xi32>
      tpu.vector_store %arg5[%swap3A_304, %swap3A_305], %swap3A_308 {strides = array<i32>} : memref<104x128xi32, #tpu.memory_space<vmem>>, vector<1x16xi32>,
      %mul3A_309 = arith.constant 128 : i32
      %mul3A_310 = arith.muli %scan3A_236, %mul3A_309 : i32
      %add3A_311 = arith.constant 48 : i32
      %add3A_312 = arith.addi %mul3A_310, %add3A_311 : i32
      %add3A_313 = vector.broadcast %add3A_312 : i32 to vector<16xi32>
      %add3A_314 = arith.addi %iota3A, %add3A_313 : vector<16xi32>
      %rem3A_315 = arith.constant 26 : i32
      %rem3A_316 = vector.broadcast %rem3A_315 : i32 to vector<16xi32>
      %rem3A_317 = arith.remsi %add3A_314, %rem3A_316 : vector<16xi32>
      %get3A_318 = arith.index_cast %scan3A_236 : i32 to index
      %get3A_319 = arith.constant 48 : index
      %get3A_320 = tpu.vector_load %arg5[%get3A_318, %get3A_319] {strides = array<i32>} : memref<104x128xi32, #tpu.memory_space<vmem>>, vector<1x16xi32>,
      %get3A_321 = vector.shape_cast %get3A_320 : vector<1x16xi32> to vector<16xi32>
      %mul3A_322 = arith.constant 100000 : i32
      %mul3A_323 = vector.broadcast %mul3A_322 : i32 to vector<16xi32>
      %mul3A_324 = arith.muli %rem3A_317, %mul3A_323 : vector<16xi32>
      %add3A_325 = arith.addi %get3A_321, %mul3A_324 : vector<16xi32>
      %mul3A_326 = arith.constant 2 : i32
      %mul3A_327 = vector.broadcast %mul3A_326 : i32 to vector<16xi32>
      %mul3A_328 = arith.muli %add3A_325, %mul3A_327 : vector<16xi32>
      %swap3A_329 = arith.index_cast %scan3A_236 : i32 to index
      %swap3A_330 = arith.constant 48 : index
      %swap3A_331 = tpu.vector_load %arg5[%swap3A_329, %swap3A_330] {strides = array<i32>} : memref<104x128xi32, #tpu.memory_space<vmem>>, vector<1x16xi32>,
      %swap3A_332 = vector.shape_cast %swap3A_331 : vector<1x16xi32> to vector<16xi32>
      %swap3A_333 = vector.shape_cast %mul3A_328 : vector<16xi32> to vector<1x16xi32>
      tpu.vector_store %arg5[%swap3A_329, %swap3A_330], %swap3A_333 {strides = array<i32>} : memref<104x128xi32, #tpu.memory_space<vmem>>, vector<1x16xi32>,
      %mul3A_334 = arith.constant 128 : i32
      %mul3A_335 = arith.muli %scan3A_236, %mul3A_334 : i32
      %add3A_336 = arith.constant 64 : i32
      %add3A_337 = arith.addi %mul3A_335, %add3A_336 : i32
      %add3A_338 = vector.broadcast %add3A_337 : i32 to vector<16xi32>
      %add3A_339 = arith.addi %iota3A, %add3A_338 : vector<16xi32>
      %rem3A_340 = arith.constant 26 : i32
      %rem3A_341 = vector.broadcast %rem3A_340 : i32 to vector<16xi32>
      %rem3A_342 = arith.remsi %add3A_339, %rem3A_341 : vector<16xi32>
      %get3A_343 = arith.index_cast %scan3A_236 : i32 to index
      %get3A_344 = arith.constant 64 : index
      %get3A_345 = tpu.vector_load %arg5[%get3A_343, %get3A_344] {strides = array<i32>} : memref<104x128xi32, #tpu.memory_space<vmem>>, vector<1x16xi32>,
      %get3A_346 = vector.shape_cast %get3A_345 : vector<1x16xi32> to vector<16xi32>
      %mul3A_347 = arith.constant 100000 : i32
      %mul3A_348 = vector.broadcast %mul3A_347 : i32 to vector<16xi32>
      %mul3A_349 = arith.muli %rem3A_342, %mul3A_348 : vector<16xi32>
      %add3A_350 = arith.addi %get3A_346, %mul3A_349 : vector<16xi32>
      %mul3A_351 = arith.constant 2 : i32
      %mul3A_352 = vector.broadcast %mul3A_351 : i32 to vector<16xi32>
      %mul3A_353 = arith.muli %add3A_350, %mul3A_352 : vector<16xi32>
      %swap3A_354 = arith.index_cast %scan3A_236 : i32 to index
      %swap3A_355 = arith.constant 64 : index
      %swap3A_356 = tpu.vector_load %arg5[%swap3A_354, %swap3A_355] {strides = array<i32>} : memref<104x128xi32, #tpu.memory_space<vmem>>, vector<1x16xi32>,
      %swap3A_357 = vector.shape_cast %swap3A_356 : vector<1x16xi32> to vector<16xi32>
      %swap3A_358 = vector.shape_cast %mul3A_353 : vector<16xi32> to vector<1x16xi32>
      tpu.vector_store %arg5[%swap3A_354, %swap3A_355], %swap3A_358 {strides = array<i32>} : memref<104x128xi32, #tpu.memory_space<vmem>>, vector<1x16xi32>,
      %mul3A_359 = arith.constant 128 : i32
      %mul3A_360 = arith.muli %scan3A_236, %mul3A_359 : i32
      %add3A_361 = arith.constant 80 : i32
      %add3A_362 = arith.addi %mul3A_360, %add3A_361 : i32
      %add3A_363 = vector.broadcast %add3A_362 : i32 to vector<16xi32>
      %add3A_364 = arith.addi %iota3A, %add3A_363 : vector<16xi32>
      %rem3A_365 = arith.constant 26 : i32
      %rem3A_366 = vector.broadcast %rem3A_365 : i32 to vector<16xi32>
      %rem3A_367 = arith.remsi %add3A_364, %rem3A_366 : vector<16xi32>
      %get3A_368 = arith.index_cast %scan3A_236 : i32 to index
      %get3A_369 = arith.constant 80 : index
      %get3A_370 = tpu.vector_load %arg5[%get3A_368, %get3A_369] {strides = array<i32>} : memref<104x128xi32, #tpu.memory_space<vmem>>, vector<1x16xi32>,
      %get3A_371 = vector.shape_cast %get3A_370 : vector<1x16xi32> to vector<16xi32>
      %mul3A_372 = arith.constant 100000 : i32
      %mul3A_373 = vector.broadcast %mul3A_372 : i32 to vector<16xi32>
      %mul3A_374 = arith.muli %rem3A_367, %mul3A_373 : vector<16xi32>
      %add3A_375 = arith.addi %get3A_371, %mul3A_374 : vector<16xi32>
      %mul3A_376 = arith.constant 2 : i32
      %mul3A_377 = vector.broadcast %mul3A_376 : i32 to vector<16xi32>
      %mul3A_378 = arith.muli %add3A_375, %mul3A_377 : vector<16xi32>
      %swap3A_379 = arith.index_cast %scan3A_236 : i32 to index
      %swap3A_380 = arith.constant 80 : index
      %swap3A_381 = tpu.vector_load %arg5[%swap3A_379, %swap3A_380] {strides = array<i32>} : memref<104x128xi32, #tpu.memory_space<vmem>>, vector<1x16xi32>,
      %swap3A_382 = vector.shape_cast %swap3A_381 : vector<1x16xi32> to vector<16xi32>
      %swap3A_383 = vector.shape_cast %mul3A_378 : vector<16xi32> to vector<1x16xi32>
      tpu.vector_store %arg5[%swap3A_379, %swap3A_380], %swap3A_383 {strides = array<i32>} : memref<104x128xi32, #tpu.memory_space<vmem>>, vector<1x16xi32>,
      %mul3A_384 = arith.constant 128 : i32
      %mul3A_385 = arith.muli %scan3A_236, %mul3A_384 : i32
      %add3A_386 = arith.constant 96 : i32
      %add3A_387 = arith.addi %mul3A_385, %add3A_386 : i32
      %add3A_388 = vector.broadcast %add3A_387 : i32 to vector<16xi32>
      %add3A_389 = arith.addi %iota3A, %add3A_388 : vector<16xi32>
      %rem3A_390 = arith.constant 26 : i32
      %rem3A_391 = vector.broadcast %rem3A_390 : i32 to vector<16xi32>
      %rem3A_392 = arith.remsi %add3A_389, %rem3A_391 : vector<16xi32>
      %get3A_393 = arith.index_cast %scan3A_236 : i32 to index
      %get3A_394 = arith.constant 96 : index
      %get3A_395 = tpu.vector_load %arg5[%get3A_393, %get3A_394] {strides = array<i32>} : memref<104x128xi32, #tpu.memory_space<vmem>>, vector<1x16xi32>,
      %get3A_396 = vector.shape_cast %get3A_395 : vector<1x16xi32> to vector<16xi32>
      %mul3A_397 = arith.constant 100000 : i32
      %mul3A_398 = vector.broadcast %mul3A_397 : i32 to vector<16xi32>
      %mul3A_399 = arith.muli %rem3A_392, %mul3A_398 : vector<16xi32>
      %add3A_400 = arith.addi %get3A_396, %mul3A_399 : vector<16xi32>
      %mul3A_401 = arith.constant 2 : i32
      %mul3A_402 = vector.broadcast %mul3A_401 : i32 to vector<16xi32>
      %mul3A_403 = arith.muli %add3A_400, %mul3A_402 : vector<16xi32>
      %swap3A_404 = arith.index_cast %scan3A_236 : i32 to index
      %swap3A_405 = arith.constant 96 : index
      %swap3A_406 = tpu.vector_load %arg5[%swap3A_404, %swap3A_405] {strides = array<i32>} : memref<104x128xi32, #tpu.memory_space<vmem>>, vector<1x16xi32>,
      %swap3A_407 = vector.shape_cast %swap3A_406 : vector<1x16xi32> to vector<16xi32>
      %swap3A_408 = vector.shape_cast %mul3A_403 : vector<16xi32> to vector<1x16xi32>
      tpu.vector_store %arg5[%swap3A_404, %swap3A_405], %swap3A_408 {strides = array<i32>} : memref<104x128xi32, #tpu.memory_space<vmem>>, vector<1x16xi32>,
      %mul3A_409 = arith.constant 128 : i32
      %mul3A_410 = arith.muli %scan3A_236, %mul3A_409 : i32
      %add3A_411 = arith.constant 112 : i32
      %add3A_412 = arith.addi %mul3A_410, %add3A_411 : i32
      %add3A_413 = vector.broadcast %add3A_412 : i32 to vector<16xi32>
      %add3A_414 = arith.addi %iota3A, %add3A_413 : vector<16xi32>
      %rem3A_415 = arith.constant 26 : i32
      %rem3A_416 = vector.broadcast %rem3A_415 : i32 to vector<16xi32>
      %rem3A_417 = arith.remsi %add3A_414, %rem3A_416 : vector<16xi32>
      %get3A_418 = arith.index_cast %scan3A_236 : i32 to index
      %get3A_419 = arith.constant 112 : index
      %get3A_420 = tpu.vector_load %arg5[%get3A_418, %get3A_419] {strides = array<i32>} : memref<104x128xi32, #tpu.memory_space<vmem>>, vector<1x16xi32>,
      %get3A_421 = vector.shape_cast %get3A_420 : vector<1x16xi32> to vector<16xi32>
      %mul3A_422 = arith.constant 100000 : i32
      %mul3A_423 = vector.broadcast %mul3A_422 : i32 to vector<16xi32>
      %mul3A_424 = arith.muli %rem3A_417, %mul3A_423 : vector<16xi32>
      %add3A_425 = arith.addi %get3A_421, %mul3A_424 : vector<16xi32>
      %mul3A_426 = arith.constant 2 : i32
      %mul3A_427 = vector.broadcast %mul3A_426 : i32 to vector<16xi32>
      %mul3A_428 = arith.muli %add3A_425, %mul3A_427 : vector<16xi32>
      %swap3A_429 = arith.index_cast %scan3A_236 : i32 to index
      %swap3A_430 = arith.constant 112 : index
      %swap3A_431 = tpu.vector_load %arg5[%swap3A_429, %swap3A_430] {strides = array<i32>} : memref<104x128xi32, #tpu.memory_space<vmem>>, vector<1x16xi32>,
      %swap3A_432 = vector.shape_cast %swap3A_431 : vector<1x16xi32> to vector<16xi32>
      %swap3A_433 = vector.shape_cast %mul3A_428 : vector<16xi32> to vector<1x16xi32>
      tpu.vector_store %arg5[%swap3A_429, %swap3A_430], %swap3A_433 {strides = array<i32>} : memref<104x128xi32, #tpu.memory_space<vmem>>, vector<1x16xi32>,
    }
    %scan3A_7 = arith.constant 104 : i32
    %dma_start3A = arith.constant 0 : i32
    %dma_start3A_8 = arith.constant 0 : i32
    %dma_start3A_9 = arith.constant 0 : i32
    %dma_start3A_10 = arith.constant 0 : i32
    %dma_start3A_11 = tpu.memref_slice %arg6[%dma_start3A_8, %dma_start3A_9, %dma_start3A_10] : memref<4x128x64xf32, #tpu.memory_space<vmem>> -> memref<1x128x64xf32, #tpu.memory_space<vmem>>
    %dma_start3A_12 = tpu.memref_squeeze %dma_start3A_11 : memref<1x128x64xf32, #tpu.memory_space<vmem>> -> memref<128x64xf32, #tpu.memory_space<vmem>>
    %dma_start3A_13 = arith.constant 0 : i32
    %dma_start3A_14 = tpu.memref_slice %arg5[%dma_start3A, %dma_start3A_13] : memref<104x128xi32, #tpu.memory_space<vmem>> -> memref<1x128xi32, #tpu.memory_space<vmem>>
    %dma_start3A_15 = tpu.memref_squeeze %dma_start3A_14 : memref<1x128xi32, #tpu.memory_space<vmem>> -> memref<128xi32, #tpu.memory_space<vmem>>
    %dma_start3A_16 = arith.constant 0 : i32
    %dma_start3A_17 = arith.constant 0 : i32
    %dma_start3A_18 = tpu.memref_slice %arg3[%dma_start3A_16, %dma_start3A_17] : memref<5200000x64xf32, #tpu.memory_space<hbm>> -> memref<5200000x64xf32, #tpu.memory_space<hbm>>
    tpu.enqueue_indirect_dma source(%dma_start3A_18 : memref<5200000x64xf32, #tpu.memory_space<hbm>>) target(%dma_start3A_12 : memref<128x64xf32, #tpu.memory_space<vmem>>) offsets(%dma_start3A_15 : memref<128xi32, #tpu.memory_space<vmem>>) semaphore(%arg8 : memref<!tpu.dma_semaphore, #tpu.memory_space<semaphore_mem>>)
    %dma_start3A_19 = arith.constant 1 : i32
    %dma_start3A_20 = arith.constant 1 : i32
    %dma_start3A_21 = arith.constant 0 : i32
    %dma_start3A_22 = arith.constant 0 : i32
    %dma_start3A_23 = tpu.memref_slice %arg6[%dma_start3A_20, %dma_start3A_21, %dma_start3A_22] : memref<4x128x64xf32, #tpu.memory_space<vmem>> -> memref<1x128x64xf32, #tpu.memory_space<vmem>>
    %dma_start3A_24 = tpu.memref_squeeze %dma_start3A_23 : memref<1x128x64xf32, #tpu.memory_space<vmem>> -> memref<128x64xf32, #tpu.memory_space<vmem>>
    %dma_start3A_25 = arith.constant 0 : i32
    %dma_start3A_26 = tpu.memref_slice %arg5[%dma_start3A_19, %dma_start3A_25] : memref<104x128xi32, #tpu.memory_space<vmem>> -> memref<1x128xi32, #tpu.memory_space<vmem>>
    %dma_start3A_27 = tpu.memref_squeeze %dma_start3A_26 : memref<1x128xi32, #tpu.memory_space<vmem>> -> memref<128xi32, #tpu.memory_space<vmem>>
    %dma_start3A_28 = arith.constant 0 : i32
    %dma_start3A_29 = arith.constant 0 : i32
    %dma_start3A_30 = tpu.memref_slice %arg3[%dma_start3A_28, %dma_start3A_29] : memref<5200000x64xf32, #tpu.memory_space<hbm>> -> memref<5200000x64xf32, #tpu.memory_space<hbm>>
    tpu.enqueue_indirect_dma source(%dma_start3A_30 : memref<5200000x64xf32, #tpu.memory_space<hbm>>) target(%dma_start3A_24 : memref<128x64xf32, #tpu.memory_space<vmem>>) offsets(%dma_start3A_27 : memref<128xi32, #tpu.memory_space<vmem>>) semaphore(%arg8 : memref<!tpu.dma_semaphore, #tpu.memory_space<semaphore_mem>>)
    %dma_start3A_31 = arith.constant 2 : i32
    %dma_start3A_32 = arith.constant 2 : i32
    %dma_start3A_33 = arith.constant 0 : i32
    %dma_start3A_34 = arith.constant 0 : i32
    %dma_start3A_35 = tpu.memref_slice %arg6[%dma_start3A_32, %dma_start3A_33, %dma_start3A_34] : memref<4x128x64xf32, #tpu.memory_space<vmem>> -> memref<1x128x64xf32, #tpu.memory_space<vmem>>
    %dma_start3A_36 = tpu.memref_squeeze %dma_start3A_35 : memref<1x128x64xf32, #tpu.memory_space<vmem>> -> memref<128x64xf32, #tpu.memory_space<vmem>>
    %dma_start3A_37 = arith.constant 0 : i32
    %dma_start3A_38 = tpu.memref_slice %arg5[%dma_start3A_31, %dma_start3A_37] : memref<104x128xi32, #tpu.memory_space<vmem>> -> memref<1x128xi32, #tpu.memory_space<vmem>>
    %dma_start3A_39 = tpu.memref_squeeze %dma_start3A_38 : memref<1x128xi32, #tpu.memory_space<vmem>> -> memref<128xi32, #tpu.memory_space<vmem>>
    %dma_start3A_40 = arith.constant 0 : i32
    %dma_start3A_41 = arith.constant 0 : i32
    %dma_start3A_42 = tpu.memref_slice %arg3[%dma_start3A_40, %dma_start3A_41] : memref<5200000x64xf32, #tpu.memory_space<hbm>> -> memref<5200000x64xf32, #tpu.memory_space<hbm>>
    tpu.enqueue_indirect_dma source(%dma_start3A_42 : memref<5200000x64xf32, #tpu.memory_space<hbm>>) target(%dma_start3A_36 : memref<128x64xf32, #tpu.memory_space<vmem>>) offsets(%dma_start3A_39 : memref<128xi32, #tpu.memory_space<vmem>>) semaphore(%arg8 : memref<!tpu.dma_semaphore, #tpu.memory_space<semaphore_mem>>)
    %dma_start3A_43 = arith.constant 3 : i32
    %dma_start3A_44 = arith.constant 3 : i32
    %dma_start3A_45 = arith.constant 0 : i32
    %dma_start3A_46 = arith.constant 0 : i32
    %dma_start3A_47 = tpu.memref_slice %arg6[%dma_start3A_44, %dma_start3A_45, %dma_start3A_46] : memref<4x128x64xf32, #tpu.memory_space<vmem>> -> memref<1x128x64xf32, #tpu.memory_space<vmem>>
    %dma_start3A_48 = tpu.memref_squeeze %dma_start3A_47 : memref<1x128x64xf32, #tpu.memory_space<vmem>> -> memref<128x64xf32, #tpu.memory_space<vmem>>
    %dma_start3A_49 = arith.constant 0 : i32
    %dma_start3A_50 = tpu.memref_slice %arg5[%dma_start3A_43, %dma_start3A_49] : memref<104x128xi32, #tpu.memory_space<vmem>> -> memref<1x128xi32, #tpu.memory_space<vmem>>
    %dma_start3A_51 = tpu.memref_squeeze %dma_start3A_50 : memref<1x128xi32, #tpu.memory_space<vmem>> -> memref<128xi32, #tpu.memory_space<vmem>>
    %dma_start3A_52 = arith.constant 0 : i32
    %dma_start3A_53 = arith.constant 0 : i32
    %dma_start3A_54 = tpu.memref_slice %arg3[%dma_start3A_52, %dma_start3A_53] : memref<5200000x64xf32, #tpu.memory_space<hbm>> -> memref<5200000x64xf32, #tpu.memory_space<hbm>>
    tpu.enqueue_indirect_dma source(%dma_start3A_54 : memref<5200000x64xf32, #tpu.memory_space<hbm>>) target(%dma_start3A_48 : memref<128x64xf32, #tpu.memory_space<vmem>>) offsets(%dma_start3A_51 : memref<128xi32, #tpu.memory_space<vmem>>) semaphore(%arg8 : memref<!tpu.dma_semaphore, #tpu.memory_space<semaphore_mem>>)
    %dma_wait3A = arith.constant 0 : i32
    %dma_wait3A_55 = arith.constant 0 : i32
    %dma_wait3A_56 = arith.constant 0 : i32
    %dma_wait3A_57 = arith.constant 0 : i32
    %dma_wait3A_58 = tpu.memref_slice %arg6[%dma_wait3A_55, %dma_wait3A_56, %dma_wait3A_57] : memref<4x128x64xf32, #tpu.memory_space<vmem>> -> memref<1x128x64xf32, #tpu.memory_space<vmem>>
    %dma_wait3A_59 = tpu.memref_squeeze %dma_wait3A_58 : memref<1x128x64xf32, #tpu.memory_space<vmem>> -> memref<128x64xf32, #tpu.memory_space<vmem>>
    %dma_wait3A_60 = arith.constant 0 : i32
    %dma_wait3A_61 = tpu.memref_slice %arg5[%dma_wait3A, %dma_wait3A_60] : memref<104x128xi32, #tpu.memory_space<vmem>> -> memref<1x128xi32, #tpu.memory_space<vmem>>
    %dma_wait3A_62 = tpu.memref_squeeze %dma_wait3A_61 : memref<1x128xi32, #tpu.memory_space<vmem>> -> memref<128xi32, #tpu.memory_space<vmem>>
    %dma_wait3A_63 = arith.constant 0 : i32
    %dma_wait3A_64 = arith.constant 0 : i32
    %dma_wait3A_65 = tpu.memref_slice %arg3[%dma_wait3A_63, %dma_wait3A_64] : memref<5200000x64xf32, #tpu.memory_space<hbm>> -> memref<5200000x64xf32, #tpu.memory_space<hbm>>
    tpu.wait_indirect_dma semaphore(%arg8 : memref<!tpu.dma_semaphore, #tpu.memory_space<semaphore_mem>>) src(%dma_wait3A_65 : memref<5200000x64xf32, #tpu.memory_space<hbm>>) dst(%dma_wait3A_59 : memref<128x64xf32, #tpu.memory_space<vmem>>)
    %dma_wait3A_66 = arith.constant 1 : i32
    %dma_wait3A_67 = arith.constant 1 : i32
    %dma_wait3A_68 = arith.constant 0 : i32
    %dma_wait3A_69 = arith.constant 0 : i32
    %dma_wait3A_70 = tpu.memref_slice %arg6[%dma_wait3A_67, %dma_wait3A_68, %dma_wait3A_69] : memref<4x128x64xf32, #tpu.memory_space<vmem>> -> memref<1x128x64xf32, #tpu.memory_space<vmem>>
    %dma_wait3A_71 = tpu.memref_squeeze %dma_wait3A_70 : memref<1x128x64xf32, #tpu.memory_space<vmem>> -> memref<128x64xf32, #tpu.memory_space<vmem>>
    %dma_wait3A_72 = arith.constant 0 : i32
    %dma_wait3A_73 = tpu.memref_slice %arg5[%dma_wait3A_66, %dma_wait3A_72] : memref<104x128xi32, #tpu.memory_space<vmem>> -> memref<1x128xi32, #tpu.memory_space<vmem>>
    %dma_wait3A_74 = tpu.memref_squeeze %dma_wait3A_73 : memref<1x128xi32, #tpu.memory_space<vmem>> -> memref<128xi32, #tpu.memory_space<vmem>>
    %dma_wait3A_75 = arith.constant 0 : i32
    %dma_wait3A_76 = arith.constant 0 : i32
    %dma_wait3A_77 = tpu.memref_slice %arg3[%dma_wait3A_75, %dma_wait3A_76] : memref<5200000x64xf32, #tpu.memory_space<hbm>> -> memref<5200000x64xf32, #tpu.memory_space<hbm>>
    tpu.wait_indirect_dma semaphore(%arg8 : memref<!tpu.dma_semaphore, #tpu.memory_space<semaphore_mem>>) src(%dma_wait3A_77 : memref<5200000x64xf32, #tpu.memory_space<hbm>>) dst(%dma_wait3A_71 : memref<128x64xf32, #tpu.memory_space<vmem>>)
    %dma_wait3A_78 = arith.constant 2 : i32
    %dma_wait3A_79 = arith.constant 2 : i32
    %dma_wait3A_80 = arith.constant 0 : i32
    %dma_wait3A_81 = arith.constant 0 : i32
    %dma_wait3A_82 = tpu.memref_slice %arg6[%dma_wait3A_79, %dma_wait3A_80, %dma_wait3A_81] : memref<4x128x64xf32, #tpu.memory_space<vmem>> -> memref<1x128x64xf32, #tpu.memory_space<vmem>>
    %dma_wait3A_83 = tpu.memref_squeeze %dma_wait3A_82 : memref<1x128x64xf32, #tpu.memory_space<vmem>> -> memref<128x64xf32, #tpu.memory_space<vmem>>
    %dma_wait3A_84 = arith.constant 0 : i32
    %dma_wait3A_85 = tpu.memref_slice %arg5[%dma_wait3A_78, %dma_wait3A_84] : memref<104x128xi32, #tpu.memory_space<vmem>> -> memref<1x128xi32, #tpu.memory_space<vmem>>
    %dma_wait3A_86 = tpu.memref_squeeze %dma_wait3A_85 : memref<1x128xi32, #tpu.memory_space<vmem>> -> memref<128xi32, #tpu.memory_space<vmem>>
    %dma_wait3A_87 = arith.constant 0 : i32
    %dma_wait3A_88 = arith.constant 0 : i32
    %dma_wait3A_89 = tpu.memref_slice %arg3[%dma_wait3A_87, %dma_wait3A_88] : memref<5200000x64xf32, #tpu.memory_space<hbm>> -> memref<5200000x64xf32, #tpu.memory_space<hbm>>
    tpu.wait_indirect_dma semaphore(%arg8 : memref<!tpu.dma_semaphore, #tpu.memory_space<semaphore_mem>>) src(%dma_wait3A_89 : memref<5200000x64xf32, #tpu.memory_space<hbm>>) dst(%dma_wait3A_83 : memref<128x64xf32, #tpu.memory_space<vmem>>)
    %dma_wait3A_90 = arith.constant 3 : i32
    %dma_wait3A_91 = arith.constant 3 : i32
    %dma_wait3A_92 = arith.constant 0 : i32
    %dma_wait3A_93 = arith.constant 0 : i32
    %dma_wait3A_94 = tpu.memref_slice %arg6[%dma_wait3A_91, %dma_wait3A_92, %dma_wait3A_93] : memref<4x128x64xf32, #tpu.memory_space<vmem>> -> memref<1x128x64xf32, #tpu.memory_space<vmem>>
    %dma_wait3A_95 = tpu.memref_squeeze %dma_wait3A_94 : memref<1x128x64xf32, #tpu.memory_space<vmem>> -> memref<128x64xf32, #tpu.memory_space<vmem>>
    %dma_wait3A_96 = arith.constant 0 : i32
    %dma_wait3A_97 = tpu.memref_slice %arg5[%dma_wait3A_90, %dma_wait3A_96] : memref<104x128xi32, #tpu.memory_space<vmem>> -> memref<1x128xi32, #tpu.memory_space<vmem>>
    %dma_wait3A_98 = tpu.memref_squeeze %dma_wait3A_97 : memref<1x128xi32, #tpu.memory_space<vmem>> -> memref<128xi32, #tpu.memory_space<vmem>>
    %dma_wait3A_99 = arith.constant 0 : i32
    %dma_wait3A_100 = arith.constant 0 : i32
    %dma_wait3A_101 = tpu.memref_slice %arg3[%dma_wait3A_99, %dma_wait3A_100] : memref<5200000x64xf32, #tpu.memory_space<hbm>> -> memref<5200000x64xf32, #tpu.memory_space<hbm>>
    tpu.wait_indirect_dma semaphore(%arg8 : memref<!tpu.dma_semaphore, #tpu.memory_space<semaphore_mem>>) src(%dma_wait3A_101 : memref<5200000x64xf32, #tpu.memory_space<hbm>>) dst(%dma_wait3A_95 : memref<128x64xf32, #tpu.memory_space<vmem>>)
    %add3A_102 = arith.constant 0 : i32
    %add3A_103 = arith.addi %mul3A_2, %add3A_102 : i32
    %dma_start3A_104 = arith.constant 0 : i32
    %dma_start3A_105 = arith.constant 0 : i32
    %dma_start3A_106 = tpu.memref_slice %arg4[%add3A_103, %dma_start3A_104, %dma_start3A_105] : memref<3328x128x64xf32, #tpu.memory_space<hbm>> -> memref<4x128x64xf32, #tpu.memory_space<hbm>>
    %dma_start3A_107 = arith.constant 0 : i32
    %dma_start3A_108 = arith.constant 0 : i32
    %dma_start3A_109 = tpu.memref_slice %arg4[%add3A_103, %dma_start3A_107, %dma_start3A_108] : memref<3328x128x64xf32, #tpu.memory_space<hbm>> -> memref<4x128x64xf32, #tpu.memory_space<hbm>>
    tpu.enqueue_dma source(%arg6 : memref<4x128x64xf32, #tpu.memory_space<vmem>>) target(%dma_start3A_109 : memref<4x128x64xf32, #tpu.memory_space<hbm>>) target_semaphore(%arg10 : memref<!tpu.dma_semaphore, #tpu.memory_space<semaphore_mem>>)
    %dma_start3A_110 = arith.constant 4 : i32
    %dma_start3A_111 = arith.constant 0 : i32
    %dma_start3A_112 = arith.constant 0 : i32
    %dma_start3A_113 = arith.constant 0 : i32
    %dma_start3A_114 = tpu.memref_slice %arg7[%dma_start3A_111, %dma_start3A_112, %dma_start3A_113] : memref<4x128x64xf32, #tpu.memory_space<vmem>> -> memref<1x128x64xf32, #tpu.memory_space<vmem>>
    %dma_start3A_115 = tpu.memref_squeeze %dma_start3A_114 : memref<1x128x64xf32, #tpu.memory_space<vmem>> -> memref<128x64xf32, #tpu.memory_space<vmem>>
    %dma_start3A_116 = arith.constant 0 : i32
    %dma_start3A_117 = tpu.memref_slice %arg5[%dma_start3A_110, %dma_start3A_116] : memref<104x128xi32, #tpu.memory_space<vmem>> -> memref<1x128xi32, #tpu.memory_space<vmem>>
    %dma_start3A_118 = tpu.memref_squeeze %dma_start3A_117 : memref<1x128xi32, #tpu.memory_space<vmem>> -> memref<128xi32, #tpu.memory_space<vmem>>
    %dma_start3A_119 = arith.constant 0 : i32
    %dma_start3A_120 = arith.constant 0 : i32
    %dma_start3A_121 = tpu.memref_slice %arg3[%dma_start3A_119, %dma_start3A_120] : memref<5200000x64xf32, #tpu.memory_space<hbm>> -> memref<5200000x64xf32, #tpu.memory_space<hbm>>
    tpu.enqueue_indirect_dma source(%dma_start3A_121 : memref<5200000x64xf32, #tpu.memory_space<hbm>>) target(%dma_start3A_115 : memref<128x64xf32, #tpu.memory_space<vmem>>) offsets(%dma_start3A_118 : memref<128xi32, #tpu.memory_space<vmem>>) semaphore(%arg9 : memref<!tpu.dma_semaphore, #tpu.memory_space<semaphore_mem>>)
    %dma_start3A_122 = arith.constant 5 : i32
    %dma_start3A_123 = arith.constant 1 : i32
    %dma_start3A_124 = arith.constant 0 : i32
    %dma_start3A_125 = arith.constant 0 : i32
    %dma_start3A_126 = tpu.memref_slice %arg7[%dma_start3A_123, %dma_start3A_124, %dma_start3A_125] : memref<4x128x64xf32, #tpu.memory_space<vmem>> -> memref<1x128x64xf32, #tpu.memory_space<vmem>>
    %dma_start3A_127 = tpu.memref_squeeze %dma_start3A_126 : memref<1x128x64xf32, #tpu.memory_space<vmem>> -> memref<128x64xf32, #tpu.memory_space<vmem>>
    %dma_start3A_128 = arith.constant 0 : i32
    %dma_start3A_129 = tpu.memref_slice %arg5[%dma_start3A_122, %dma_start3A_128] : memref<104x128xi32, #tpu.memory_space<vmem>> -> memref<1x128xi32, #tpu.memory_space<vmem>>
    %dma_start3A_130 = tpu.memref_squeeze %dma_start3A_129 : memref<1x128xi32, #tpu.memory_space<vmem>> -> memref<128xi32, #tpu.memory_space<vmem>>
    %dma_start3A_131 = arith.constant 0 : i32
    %dma_start3A_132 = arith.constant 0 : i32
    %dma_start3A_133 = tpu.memref_slice %arg3[%dma_start3A_131, %dma_start3A_132] : memref<5200000x64xf32, #tpu.memory_space<hbm>> -> memref<5200000x64xf32, #tpu.memory_space<hbm>>
    tpu.enqueue_indirect_dma source(%dma_start3A_133 : memref<5200000x64xf32, #tpu.memory_space<hbm>>) target(%dma_start3A_127 : memref<128x64xf32, #tpu.memory_space<vmem>>) offsets(%dma_start3A_130 : memref<128xi32, #tpu.memory_space<vmem>>) semaphore(%arg9 : memref<!tpu.dma_semaphore, #tpu.memory_space<semaphore_mem>>)
    %dma_start3A_134 = arith.constant 6 : i32
    %dma_start3A_135 = arith.constant 2 : i32
    %dma_start3A_136 = arith.constant 0 : i32
    %dma_start3A_137 = arith.constant 0 : i32
    %dma_start3A_138 = tpu.memref_slice %arg7[%dma_start3A_135, %dma_start3A_136, %dma_start3A_137] : memref<4x128x64xf32, #tpu.memory_space<vmem>> -> memref<1x128x64xf32, #tpu.memory_space<vmem>>
    %dma_start3A_139 = tpu.memref_squeeze %dma_start3A_138 : memref<1x128x64xf32, #tpu.memory_space<vmem>> -> memref<128x64xf32, #tpu.memory_space<vmem>>
    %dma_start3A_140 = arith.constant 0 : i32
    %dma_start3A_141 = tpu.memref_slice %arg5[%dma_start3A_134, %dma_start3A_140] : memref<104x128xi32, #tpu.memory_space<vmem>> -> memref<1x128xi32, #tpu.memory_space<vmem>>
    %dma_start3A_142 = tpu.memref_squeeze %dma_start3A_141 : memref<1x128xi32, #tpu.memory_space<vmem>> -> memref<128xi32, #tpu.memory_space<vmem>>
    %dma_start3A_143 = arith.constant 0 : i32
    %dma_start3A_144 = arith.constant 0 : i32
    %dma_start3A_145 = tpu.memref_slice %arg3[%dma_start3A_143, %dma_start3A_144] : memref<5200000x64xf32, #tpu.memory_space<hbm>> -> memref<5200000x64xf32, #tpu.memory_space<hbm>>
    tpu.enqueue_indirect_dma source(%dma_start3A_145 : memref<5200000x64xf32, #tpu.memory_space<hbm>>) target(%dma_start3A_139 : memref<128x64xf32, #tpu.memory_space<vmem>>) offsets(%dma_start3A_142 : memref<128xi32, #tpu.memory_space<vmem>>) semaphore(%arg9 : memref<!tpu.dma_semaphore, #tpu.memory_space<semaphore_mem>>)
    %dma_start3A_146 = arith.constant 7 : i32
    %dma_start3A_147 = arith.constant 3 : i32
    %dma_start3A_148 = arith.constant 0 : i32
    %dma_start3A_149 = arith.constant 0 : i32
    %dma_start3A_150 = tpu.memref_slice %arg7[%dma_start3A_147, %dma_start3A_148, %dma_start3A_149] : memref<4x128x64xf32, #tpu.memory_space<vmem>> -> memref<1x128x64xf32, #tpu.memory_space<vmem>>
    %dma_start3A_151 = tpu.memref_squeeze %dma_start3A_150 : memref<1x128x64xf32, #tpu.memory_space<vmem>> -> memref<128x64xf32, #tpu.memory_space<vmem>>
    %dma_start3A_152 = arith.constant 0 : i32
    %dma_start3A_153 = tpu.memref_slice %arg5[%dma_start3A_146, %dma_start3A_152] : memref<104x128xi32, #tpu.memory_space<vmem>> -> memref<1x128xi32, #tpu.memory_space<vmem>>
    %dma_start3A_154 = tpu.memref_squeeze %dma_start3A_153 : memref<1x128xi32, #tpu.memory_space<vmem>> -> memref<128xi32, #tpu.memory_space<vmem>>
    %dma_start3A_155 = arith.constant 0 : i32
    %dma_start3A_156 = arith.constant 0 : i32
    %dma_start3A_157 = tpu.memref_slice %arg3[%dma_start3A_155, %dma_start3A_156] : memref<5200000x64xf32, #tpu.memory_space<hbm>> -> memref<5200000x64xf32, #tpu.memory_space<hbm>>
    tpu.enqueue_indirect_dma source(%dma_start3A_157 : memref<5200000x64xf32, #tpu.memory_space<hbm>>) target(%dma_start3A_151 : memref<128x64xf32, #tpu.memory_space<vmem>>) offsets(%dma_start3A_154 : memref<128xi32, #tpu.memory_space<vmem>>) semaphore(%arg9 : memref<!tpu.dma_semaphore, #tpu.memory_space<semaphore_mem>>)
    %dma_wait3A_158 = arith.constant 4 : i32
    %dma_wait3A_159 = arith.constant 0 : i32
    %dma_wait3A_160 = arith.constant 0 : i32
    %dma_wait3A_161 = arith.constant 0 : i32
    %dma_wait3A_162 = tpu.memref_slice %arg7[%dma_wait3A_159, %dma_wait3A_160, %dma_wait3A_161] : memref<4x128x64xf32, #tpu.memory_space<vmem>> -> memref<1x128x64xf32, #tpu.memory_space<vmem>>
    %dma_wait3A_163 = tpu.memref_squeeze %dma_wait3A_162 : memref<1x128x64xf32, #tpu.memory_space<vmem>> -> memref<128x64xf32, #tpu.memory_space<vmem>>
    %dma_wait3A_164 = arith.constant 0 : i32
    %dma_wait3A_165 = tpu.memref_slice %arg5[%dma_wait3A_158, %dma_wait3A_164] : memref<104x128xi32, #tpu.memory_space<vmem>> -> memref<1x128xi32, #tpu.memory_space<vmem>>
    %dma_wait3A_166 = tpu.memref_squeeze %dma_wait3A_165 : memref<1x128xi32, #tpu.memory_space<vmem>> -> memref<128xi32, #tpu.memory_space<vmem>>
    %dma_wait3A_167 = arith.constant 0 : i32
    %dma_wait3A_168 = arith.constant 0 : i32
    %dma_wait3A_169 = tpu.memref_slice %arg3[%dma_wait3A_167, %dma_wait3A_168] : memref<5200000x64xf32, #tpu.memory_space<hbm>> -> memref<5200000x64xf32, #tpu.memory_space<hbm>>
    tpu.wait_indirect_dma semaphore(%arg9 : memref<!tpu.dma_semaphore, #tpu.memory_space<semaphore_mem>>) src(%dma_wait3A_169 : memref<5200000x64xf32, #tpu.memory_space<hbm>>) dst(%dma_wait3A_163 : memref<128x64xf32, #tpu.memory_space<vmem>>)
    %dma_wait3A_170 = arith.constant 5 : i32
    %dma_wait3A_171 = arith.constant 1 : i32
    %dma_wait3A_172 = arith.constant 0 : i32
    %dma_wait3A_173 = arith.constant 0 : i32
    %dma_wait3A_174 = tpu.memref_slice %arg7[%dma_wait3A_171, %dma_wait3A_172, %dma_wait3A_173] : memref<4x128x64xf32, #tpu.memory_space<vmem>> -> memref<1x128x64xf32, #tpu.memory_space<vmem>>
    %dma_wait3A_175 = tpu.memref_squeeze %dma_wait3A_174 : memref<1x128x64xf32, #tpu.memory_space<vmem>> -> memref<128x64xf32, #tpu.memory_space<vmem>>
    %dma_wait3A_176 = arith.constant 0 : i32
    %dma_wait3A_177 = tpu.memref_slice %arg5[%dma_wait3A_170, %dma_wait3A_176] : memref<104x128xi32, #tpu.memory_space<vmem>> -> memref<1x128xi32, #tpu.memory_space<vmem>>
    %dma_wait3A_178 = tpu.memref_squeeze %dma_wait3A_177 : memref<1x128xi32, #tpu.memory_space<vmem>> -> memref<128xi32, #tpu.memory_space<vmem>>
    %dma_wait3A_179 = arith.constant 0 : i32
    %dma_wait3A_180 = arith.constant 0 : i32
    %dma_wait3A_181 = tpu.memref_slice %arg3[%dma_wait3A_179, %dma_wait3A_180] : memref<5200000x64xf32, #tpu.memory_space<hbm>> -> memref<5200000x64xf32, #tpu.memory_space<hbm>>
    tpu.wait_indirect_dma semaphore(%arg9 : memref<!tpu.dma_semaphore, #tpu.memory_space<semaphore_mem>>) src(%dma_wait3A_181 : memref<5200000x64xf32, #tpu.memory_space<hbm>>) dst(%dma_wait3A_175 : memref<128x64xf32, #tpu.memory_space<vmem>>)
    %dma_wait3A_182 = arith.constant 6 : i32
    %dma_wait3A_183 = arith.constant 2 : i32
    %dma_wait3A_184 = arith.constant 0 : i32
    %dma_wait3A_185 = arith.constant 0 : i32
    %dma_wait3A_186 = tpu.memref_slice %arg7[%dma_wait3A_183, %dma_wait3A_184, %dma_wait3A_185] : memref<4x128x64xf32, #tpu.memory_space<vmem>> -> memref<1x128x64xf32, #tpu.memory_space<vmem>>
    %dma_wait3A_187 = tpu.memref_squeeze %dma_wait3A_186 : memref<1x128x64xf32, #tpu.memory_space<vmem>> -> memref<128x64xf32, #tpu.memory_space<vmem>>
    %dma_wait3A_188 = arith.constant 0 : i32
    %dma_wait3A_189 = tpu.memref_slice %arg5[%dma_wait3A_182, %dma_wait3A_188] : memref<104x128xi32, #tpu.memory_space<vmem>> -> memref<1x128xi32, #tpu.memory_space<vmem>>
    %dma_wait3A_190 = tpu.memref_squeeze %dma_wait3A_189 : memref<1x128xi32, #tpu.memory_space<vmem>> -> memref<128xi32, #tpu.memory_space<vmem>>
    %dma_wait3A_191 = arith.constant 0 : i32
    %dma_wait3A_192 = arith.constant 0 : i32
    %dma_wait3A_193 = tpu.memref_slice %arg3[%dma_wait3A_191, %dma_wait3A_192] : memref<5200000x64xf32, #tpu.memory_space<hbm>> -> memref<5200000x64xf32, #tpu.memory_space<hbm>>
    tpu.wait_indirect_dma semaphore(%arg9 : memref<!tpu.dma_semaphore, #tpu.memory_space<semaphore_mem>>) src(%dma_wait3A_193 : memref<5200000x64xf32, #tpu.memory_space<hbm>>) dst(%dma_wait3A_187 : memref<128x64xf32, #tpu.memory_space<vmem>>)
    %dma_wait3A_194 = arith.constant 7 : i32
    %dma_wait3A_195 = arith.constant 3 : i32
    %dma_wait3A_196 = arith.constant 0 : i32
    %dma_wait3A_197 = arith.constant 0 : i32
    %dma_wait3A_198 = tpu.memref_slice %arg7[%dma_wait3A_195, %dma_wait3A_196, %dma_wait3A_197] : memref<4x128x64xf32, #tpu.memory_space<vmem>> -> memref<1x128x64xf32, #tpu.memory_space<vmem>>
    %dma_wait3A_199 = tpu.memref_squeeze %dma_wait3A_198 : memref<1x128x64xf32, #tpu.memory_space<vmem>> -> memref<128x64xf32, #tpu.memory_space<vmem>>
    %dma_wait3A_200 = arith.constant 0 : i32
    %dma_wait3A_201 = tpu.memref_slice %arg5[%dma_wait3A_194, %dma_wait3A_200] : memref<104x128xi32, #tpu.memory_space<vmem>> -> memref<1x128xi32, #tpu.memory_space<vmem>>
    %dma_wait3A_202 = tpu.memref_squeeze %dma_wait3A_201 : memref<1x128xi32, #tpu.memory_space<vmem>> -> memref<128xi32, #tpu.memory_space<vmem>>
    %dma_wait3A_203 = arith.constant 0 : i32
    %dma_wait3A_204 = arith.constant 0 : i32
    %dma_wait3A_205 = tpu.memref_slice %arg3[%dma_wait3A_203, %dma_wait3A_204] : memref<5200000x64xf32, #tpu.memory_space<hbm>> -> memref<5200000x64xf32, #tpu.memory_space<hbm>>
    tpu.wait_indirect_dma semaphore(%arg9 : memref<!tpu.dma_semaphore, #tpu.memory_space<semaphore_mem>>) src(%dma_wait3A_205 : memref<5200000x64xf32, #tpu.memory_space<hbm>>) dst(%dma_wait3A_199 : memref<128x64xf32, #tpu.memory_space<vmem>>)
    %add3A_206 = arith.constant 4 : i32
    %add3A_207 = arith.addi %mul3A_2, %add3A_206 : i32
    %dma_start3A_208 = arith.constant 0 : i32
    %dma_start3A_209 = arith.constant 0 : i32
    %dma_start3A_210 = tpu.memref_slice %arg4[%add3A_207, %dma_start3A_208, %dma_start3A_209] : memref<3328x128x64xf32, #tpu.memory_space<hbm>> -> memref<4x128x64xf32, #tpu.memory_space<hbm>>
    %dma_start3A_211 = arith.constant 0 : i32
    %dma_start3A_212 = arith.constant 0 : i32
    %dma_start3A_213 = tpu.memref_slice %arg4[%add3A_207, %dma_start3A_211, %dma_start3A_212] : memref<3328x128x64xf32, #tpu.memory_space<hbm>> -> memref<4x128x64xf32, #tpu.memory_space<hbm>>
    tpu.enqueue_dma source(%arg7 : memref<4x128x64xf32, #tpu.memory_space<vmem>>) target(%dma_start3A_213 : memref<4x128x64xf32, #tpu.memory_space<hbm>>) target_semaphore(%arg11 : memref<!tpu.dma_semaphore, #tpu.memory_space<semaphore_mem>>)
    %scan3A_214 = arith.constant 0 : i32
    %scan3A_215 = arith.constant 0 : i32
    %scan3A_216 = arith.constant 12 : i32
    %scan3A_217 = arith.addi %scan3A_215, %scan3A_216 : i32
    %scan3A_218 = arith.constant 1 : i32
    scf.for %scan3A_236 = %scan3A_215 to %scan3A_217 step %scan3A_218  : i32 {
      %mul3A_237 = arith.constant 2 : i32
      %mul3A_238 = arith.muli %mul3A_237, %scan3A_236 : i32
      %add3A_239 = arith.constant 2 : i32
      %add3A_240 = arith.addi %add3A_239, %mul3A_238 : i32
      %dma_wait3A_241 = arith.constant 0 : i32
      %dma_wait3A_242 = arith.constant 0 : i32
      %dma_wait3A_243 = arith.constant 0 : i32
      %dma_wait3A_244 = tpu.memref_slice %arg4[%dma_wait3A_241, %dma_wait3A_242, %dma_wait3A_243] : memref<3328x128x64xf32, #tpu.memory_space<hbm>> -> memref<4x128x64xf32, #tpu.memory_space<hbm>>
      %dma_wait3A_245 = arith.constant 0 : i32
      %dma_wait3A_246 = arith.constant 0 : i32
      %dma_wait3A_247 = arith.constant 0 : i32
      %dma_wait3A_248 = tpu.memref_slice %arg4[%dma_wait3A_245, %dma_wait3A_246, %dma_wait3A_247] : memref<3328x128x64xf32, #tpu.memory_space<hbm>> -> memref<4x128x64xf32, #tpu.memory_space<hbm>>
      tpu.wait_dma2 semaphore(%arg10 : memref<!tpu.dma_semaphore, #tpu.memory_space<semaphore_mem>>) src(%arg6 : memref<4x128x64xf32, #tpu.memory_space<vmem>>) dst(%dma_wait3A_248 : memref<4x128x64xf32, #tpu.memory_space<hbm>>)
      %mul3A_249 = arith.constant 4 : i32
      %mul3A_250 = arith.muli %add3A_240, %mul3A_249 : i32
      %add3A_251 = arith.constant 0 : i32
      %add3A_252 = arith.addi %mul3A_250, %add3A_251 : i32
      %dma_start3A_253 = arith.constant 0 : i32
      %dma_start3A_254 = arith.constant 0 : i32
      %dma_start3A_255 = arith.constant 0 : i32
      %dma_start3A_256 = tpu.memref_slice %arg6[%dma_start3A_253, %dma_start3A_254, %dma_start3A_255] : memref<4x128x64xf32, #tpu.memory_space<vmem>> -> memref<1x128x64xf32, #tpu.memory_space<vmem>>
      %dma_start3A_257 = tpu.memref_squeeze %dma_start3A_256 : memref<1x128x64xf32, #tpu.memory_space<vmem>> -> memref<128x64xf32, #tpu.memory_space<vmem>>
      %dma_start3A_258 = arith.constant 0 : i32
      %dma_start3A_259 = tpu.memref_slice %arg5[%add3A_252, %dma_start3A_258] : memref<104x128xi32, #tpu.memory_space<vmem>> -> memref<1x128xi32, #tpu.memory_space<vmem>>
      %dma_start3A_260 = tpu.memref_squeeze %dma_start3A_259 : memref<1x128xi32, #tpu.memory_space<vmem>> -> memref<128xi32, #tpu.memory_space<vmem>>
      %dma_start3A_261 = arith.constant 0 : i32
      %dma_start3A_262 = arith.constant 0 : i32
      %dma_start3A_263 = tpu.memref_slice %arg3[%dma_start3A_261, %dma_start3A_262] : memref<5200000x64xf32, #tpu.memory_space<hbm>> -> memref<5200000x64xf32, #tpu.memory_space<hbm>>
      tpu.enqueue_indirect_dma source(%dma_start3A_263 : memref<5200000x64xf32, #tpu.memory_space<hbm>>) target(%dma_start3A_257 : memref<128x64xf32, #tpu.memory_space<vmem>>) offsets(%dma_start3A_260 : memref<128xi32, #tpu.memory_space<vmem>>) semaphore(%arg8 : memref<!tpu.dma_semaphore, #tpu.memory_space<semaphore_mem>>)
      %mul3A_264 = arith.constant 4 : i32
      %mul3A_265 = arith.muli %add3A_240, %mul3A_264 : i32
      %add3A_266 = arith.constant 1 : i32
      %add3A_267 = arith.addi %mul3A_265, %add3A_266 : i32
      %dma_start3A_268 = arith.constant 1 : i32
      %dma_start3A_269 = arith.constant 0 : i32
      %dma_start3A_270 = arith.constant 0 : i32
      %dma_start3A_271 = tpu.memref_slice %arg6[%dma_start3A_268, %dma_start3A_269, %dma_start3A_270] : memref<4x128x64xf32, #tpu.memory_space<vmem>> -> memref<1x128x64xf32, #tpu.memory_space<vmem>>
      %dma_start3A_272 = tpu.memref_squeeze %dma_start3A_271 : memref<1x128x64xf32, #tpu.memory_space<vmem>> -> memref<128x64xf32, #tpu.memory_space<vmem>>
      %dma_start3A_273 = arith.constant 0 : i32
      %dma_start3A_274 = tpu.memref_slice %arg5[%add3A_267, %dma_start3A_273] : memref<104x128xi32, #tpu.memory_space<vmem>> -> memref<1x128xi32, #tpu.memory_space<vmem>>
      %dma_start3A_275 = tpu.memref_squeeze %dma_start3A_274 : memref<1x128xi32, #tpu.memory_space<vmem>> -> memref<128xi32, #tpu.memory_space<vmem>>
      %dma_start3A_276 = arith.constant 0 : i32
      %dma_start3A_277 = arith.constant 0 : i32
      %dma_start3A_278 = tpu.memref_slice %arg3[%dma_start3A_276, %dma_start3A_277] : memref<5200000x64xf32, #tpu.memory_space<hbm>> -> memref<5200000x64xf32, #tpu.memory_space<hbm>>
      tpu.enqueue_indirect_dma source(%dma_start3A_278 : memref<5200000x64xf32, #tpu.memory_space<hbm>>) target(%dma_start3A_272 : memref<128x64xf32, #tpu.memory_space<vmem>>) offsets(%dma_start3A_275 : memref<128xi32, #tpu.memory_space<vmem>>) semaphore(%arg8 : memref<!tpu.dma_semaphore, #tpu.memory_space<semaphore_mem>>)
      %mul3A_279 = arith.constant 4 : i32
      %mul3A_280 = arith.muli %add3A_240, %mul3A_279 : i32
      %add3A_281 = arith.constant 2 : i32
      %add3A_282 = arith.addi %mul3A_280, %add3A_281 : i32
      %dma_start3A_283 = arith.constant 2 : i32
      %dma_start3A_284 = arith.constant 0 : i32
      %dma_start3A_285 = arith.constant 0 : i32
      %dma_start3A_286 = tpu.memref_slice %arg6[%dma_start3A_283, %dma_start3A_284, %dma_start3A_285] : memref<4x128x64xf32, #tpu.memory_space<vmem>> -> memref<1x128x64xf32, #tpu.memory_space<vmem>>
      %dma_start3A_287 = tpu.memref_squeeze %dma_start3A_286 : memref<1x128x64xf32, #tpu.memory_space<vmem>> -> memref<128x64xf32, #tpu.memory_space<vmem>>
      %dma_start3A_288 = arith.constant 0 : i32
      %dma_start3A_289 = tpu.memref_slice %arg5[%add3A_282, %dma_start3A_288] : memref<104x128xi32, #tpu.memory_space<vmem>> -> memref<1x128xi32, #tpu.memory_space<vmem>>
      %dma_start3A_290 = tpu.memref_squeeze %dma_start3A_289 : memref<1x128xi32, #tpu.memory_space<vmem>> -> memref<128xi32, #tpu.memory_space<vmem>>
      %dma_start3A_291 = arith.constant 0 : i32
      %dma_start3A_292 = arith.constant 0 : i32
      %dma_start3A_293 = tpu.memref_slice %arg3[%dma_start3A_291, %dma_start3A_292] : memref<5200000x64xf32, #tpu.memory_space<hbm>> -> memref<5200000x64xf32, #tpu.memory_space<hbm>>
      tpu.enqueue_indirect_dma source(%dma_start3A_293 : memref<5200000x64xf32, #tpu.memory_space<hbm>>) target(%dma_start3A_287 : memref<128x64xf32, #tpu.memory_space<vmem>>) offsets(%dma_start3A_290 : memref<128xi32, #tpu.memory_space<vmem>>) semaphore(%arg8 : memref<!tpu.dma_semaphore, #tpu.memory_space<semaphore_mem>>)
      %mul3A_294 = arith.constant 4 : i32
      %mul3A_295 = arith.muli %add3A_240, %mul3A_294 : i32
      %add3A_296 = arith.constant 3 : i32
      %add3A_297 = arith.addi %mul3A_295, %add3A_296 : i32
      %dma_start3A_298 = arith.constant 3 : i32
      %dma_start3A_299 = arith.constant 0 : i32
      %dma_start3A_300 = arith.constant 0 : i32
      %dma_start3A_301 = tpu.memref_slice %arg6[%dma_start3A_298, %dma_start3A_299, %dma_start3A_300] : memref<4x128x64xf32, #tpu.memory_space<vmem>> -> memref<1x128x64xf32, #tpu.memory_space<vmem>>
      %dma_start3A_302 = tpu.memref_squeeze %dma_start3A_301 : memref<1x128x64xf32, #tpu.memory_space<vmem>> -> memref<128x64xf32, #tpu.memory_space<vmem>>
      %dma_start3A_303 = arith.constant 0 : i32
      %dma_start3A_304 = tpu.memref_slice %arg5[%add3A_297, %dma_start3A_303] : memref<104x128xi32, #tpu.memory_space<vmem>> -> memref<1x128xi32, #tpu.memory_space<vmem>>
      %dma_start3A_305 = tpu.memref_squeeze %dma_start3A_304 : memref<1x128xi32, #tpu.memory_space<vmem>> -> memref<128xi32, #tpu.memory_space<vmem>>
      %dma_start3A_306 = arith.constant 0 : i32
      %dma_start3A_307 = arith.constant 0 : i32
      %dma_start3A_308 = tpu.memref_slice %arg3[%dma_start3A_306, %dma_start3A_307] : memref<5200000x64xf32, #tpu.memory_space<hbm>> -> memref<5200000x64xf32, #tpu.memory_space<hbm>>
      tpu.enqueue_indirect_dma source(%dma_start3A_308 : memref<5200000x64xf32, #tpu.memory_space<hbm>>) target(%dma_start3A_302 : memref<128x64xf32, #tpu.memory_space<vmem>>) offsets(%dma_start3A_305 : memref<128xi32, #tpu.memory_space<vmem>>) semaphore(%arg8 : memref<!tpu.dma_semaphore, #tpu.memory_space<semaphore_mem>>)
      %dma_wait3A_309 = arith.constant 0 : i32
      %dma_wait3A_310 = arith.constant 0 : i32
      %dma_wait3A_311 = arith.constant 0 : i32
      %dma_wait3A_312 = tpu.memref_slice %arg6[%dma_wait3A_309, %dma_wait3A_310, %dma_wait3A_311] : memref<4x128x64xf32, #tpu.memory_space<vmem>> -> memref<1x128x64xf32, #tpu.memory_space<vmem>>
      %dma_wait3A_313 = tpu.memref_squeeze %dma_wait3A_312 : memref<1x128x64xf32, #tpu.memory_space<vmem>> -> memref<128x64xf32, #tpu.memory_space<vmem>>
      %dma_wait3A_314 = arith.constant 0 : i32
      %dma_wait3A_315 = tpu.memref_slice %arg5[%add3A_252, %dma_wait3A_314] : memref<104x128xi32, #tpu.memory_space<vmem>> -> memref<1x128xi32, #tpu.memory_space<vmem>>
      %dma_wait3A_316 = tpu.memref_squeeze %dma_wait3A_315 : memref<1x128xi32, #tpu.memory_space<vmem>> -> memref<128xi32, #tpu.memory_space<vmem>>
      %dma_wait3A_317 = arith.constant 0 : i32
      %dma_wait3A_318 = arith.constant 0 : i32
      %dma_wait3A_319 = tpu.memref_slice %arg3[%dma_wait3A_317, %dma_wait3A_318] : memref<5200000x64xf32, #tpu.memory_space<hbm>> -> memref<5200000x64xf32, #tpu.memory_space<hbm>>
      tpu.wait_indirect_dma semaphore(%arg8 : memref<!tpu.dma_semaphore, #tpu.memory_space<semaphore_mem>>) src(%dma_wait3A_319 : memref<5200000x64xf32, #tpu.memory_space<hbm>>) dst(%dma_wait3A_313 : memref<128x64xf32, #tpu.memory_space<vmem>>)
      %dma_wait3A_320 = arith.constant 1 : i32
      %dma_wait3A_321 = arith.constant 0 : i32
      %dma_wait3A_322 = arith.constant 0 : i32
      %dma_wait3A_323 = tpu.memref_slice %arg6[%dma_wait3A_320, %dma_wait3A_321, %dma_wait3A_322] : memref<4x128x64xf32, #tpu.memory_space<vmem>> -> memref<1x128x64xf32, #tpu.memory_space<vmem>>
      %dma_wait3A_324 = tpu.memref_squeeze %dma_wait3A_323 : memref<1x128x64xf32, #tpu.memory_space<vmem>> -> memref<128x64xf32, #tpu.memory_space<vmem>>
      %dma_wait3A_325 = arith.constant 0 : i32
      %dma_wait3A_326 = tpu.memref_slice %arg5[%add3A_267, %dma_wait3A_325] : memref<104x128xi32, #tpu.memory_space<vmem>> -> memref<1x128xi32, #tpu.memory_space<vmem>>
      %dma_wait3A_327 = tpu.memref_squeeze %dma_wait3A_326 : memref<1x128xi32, #tpu.memory_space<vmem>> -> memref<128xi32, #tpu.memory_space<vmem>>
      %dma_wait3A_328 = arith.constant 0 : i32
      %dma_wait3A_329 = arith.constant 0 : i32
      %dma_wait3A_330 = tpu.memref_slice %arg3[%dma_wait3A_328, %dma_wait3A_329] : memref<5200000x64xf32, #tpu.memory_space<hbm>> -> memref<5200000x64xf32, #tpu.memory_space<hbm>>
      tpu.wait_indirect_dma semaphore(%arg8 : memref<!tpu.dma_semaphore, #tpu.memory_space<semaphore_mem>>) src(%dma_wait3A_330 : memref<5200000x64xf32, #tpu.memory_space<hbm>>) dst(%dma_wait3A_324 : memref<128x64xf32, #tpu.memory_space<vmem>>)
      %dma_wait3A_331 = arith.constant 2 : i32
      %dma_wait3A_332 = arith.constant 0 : i32
      %dma_wait3A_333 = arith.constant 0 : i32
      %dma_wait3A_334 = tpu.memref_slice %arg6[%dma_wait3A_331, %dma_wait3A_332, %dma_wait3A_333] : memref<4x128x64xf32, #tpu.memory_space<vmem>> -> memref<1x128x64xf32, #tpu.memory_space<vmem>>
      %dma_wait3A_335 = tpu.memref_squeeze %dma_wait3A_334 : memref<1x128x64xf32, #tpu.memory_space<vmem>> -> memref<128x64xf32, #tpu.memory_space<vmem>>
      %dma_wait3A_336 = arith.constant 0 : i32
      %dma_wait3A_337 = tpu.memref_slice %arg5[%add3A_282, %dma_wait3A_336] : memref<104x128xi32, #tpu.memory_space<vmem>> -> memref<1x128xi32, #tpu.memory_space<vmem>>
      %dma_wait3A_338 = tpu.memref_squeeze %dma_wait3A_337 : memref<1x128xi32, #tpu.memory_space<vmem>> -> memref<128xi32, #tpu.memory_space<vmem>>
      %dma_wait3A_339 = arith.constant 0 : i32
      %dma_wait3A_340 = arith.constant 0 : i32
      %dma_wait3A_341 = tpu.memref_slice %arg3[%dma_wait3A_339, %dma_wait3A_340] : memref<5200000x64xf32, #tpu.memory_space<hbm>> -> memref<5200000x64xf32, #tpu.memory_space<hbm>>
      tpu.wait_indirect_dma semaphore(%arg8 : memref<!tpu.dma_semaphore, #tpu.memory_space<semaphore_mem>>) src(%dma_wait3A_341 : memref<5200000x64xf32, #tpu.memory_space<hbm>>) dst(%dma_wait3A_335 : memref<128x64xf32, #tpu.memory_space<vmem>>)
      %dma_wait3A_342 = arith.constant 3 : i32
      %dma_wait3A_343 = arith.constant 0 : i32
      %dma_wait3A_344 = arith.constant 0 : i32
      %dma_wait3A_345 = tpu.memref_slice %arg6[%dma_wait3A_342, %dma_wait3A_343, %dma_wait3A_344] : memref<4x128x64xf32, #tpu.memory_space<vmem>> -> memref<1x128x64xf32, #tpu.memory_space<vmem>>
      %dma_wait3A_346 = tpu.memref_squeeze %dma_wait3A_345 : memref<1x128x64xf32, #tpu.memory_space<vmem>> -> memref<128x64xf32, #tpu.memory_space<vmem>>
      %dma_wait3A_347 = arith.constant 0 : i32
      %dma_wait3A_348 = tpu.memref_slice %arg5[%add3A_297, %dma_wait3A_347] : memref<104x128xi32, #tpu.memory_space<vmem>> -> memref<1x128xi32, #tpu.memory_space<vmem>>
      %dma_wait3A_349 = tpu.memref_squeeze %dma_wait3A_348 : memref<1x128xi32, #tpu.memory_space<vmem>> -> memref<128xi32, #tpu.memory_space<vmem>>
      %dma_wait3A_350 = arith.constant 0 : i32
      %dma_wait3A_351 = arith.constant 0 : i32
      %dma_wait3A_352 = tpu.memref_slice %arg3[%dma_wait3A_350, %dma_wait3A_351] : memref<5200000x64xf32, #tpu.memory_space<hbm>> -> memref<5200000x64xf32, #tpu.memory_space<hbm>>
      tpu.wait_indirect_dma semaphore(%arg8 : memref<!tpu.dma_semaphore, #tpu.memory_space<semaphore_mem>>) src(%dma_wait3A_352 : memref<5200000x64xf32, #tpu.memory_space<hbm>>) dst(%dma_wait3A_346 : memref<128x64xf32, #tpu.memory_space<vmem>>)
      %mul3A_353 = arith.constant 4 : i32
      %mul3A_354 = arith.muli %add3A_240, %mul3A_353 : i32
      %add3A_355 = arith.addi %mul3A_2, %mul3A_354 : i32
      %dma_start3A_356 = arith.constant 0 : i32
      %dma_start3A_357 = arith.constant 0 : i32
      %dma_start3A_358 = tpu.memref_slice %arg4[%add3A_355, %dma_start3A_356, %dma_start3A_357] : memref<3328x128x64xf32, #tpu.memory_space<hbm>> -> memref<4x128x64xf32, #tpu.memory_space<hbm>>
      %dma_start3A_359 = arith.constant 0 : i32
      %dma_start3A_360 = arith.constant 0 : i32
      %dma_start3A_361 = tpu.memref_slice %arg4[%add3A_355, %dma_start3A_359, %dma_start3A_360] : memref<3328x128x64xf32, #tpu.memory_space<hbm>> -> memref<4x128x64xf32, #tpu.memory_space<hbm>>
      tpu.enqueue_dma source(%arg6 : memref<4x128x64xf32, #tpu.memory_space<vmem>>) target(%dma_start3A_361 : memref<4x128x64xf32, #tpu.memory_space<hbm>>) target_semaphore(%arg10 : memref<!tpu.dma_semaphore, #tpu.memory_space<semaphore_mem>>)
      %add3A_362 = arith.constant 1 : i32
      %add3A_363 = arith.addi %add3A_240, %add3A_362 : i32
      %dma_wait3A_364 = arith.constant 0 : i32
      %dma_wait3A_365 = arith.constant 0 : i32
      %dma_wait3A_366 = arith.constant 0 : i32
      %dma_wait3A_367 = tpu.memref_slice %arg4[%dma_wait3A_364, %dma_wait3A_365, %dma_wait3A_366] : memref<3328x128x64xf32, #tpu.memory_space<hbm>> -> memref<4x128x64xf32, #tpu.memory_space<hbm>>
      %dma_wait3A_368 = arith.constant 0 : i32
      %dma_wait3A_369 = arith.constant 0 : i32
      %dma_wait3A_370 = arith.constant 0 : i32
      %dma_wait3A_371 = tpu.memref_slice %arg4[%dma_wait3A_368, %dma_wait3A_369, %dma_wait3A_370] : memref<3328x128x64xf32, #tpu.memory_space<hbm>> -> memref<4x128x64xf32, #tpu.memory_space<hbm>>
      tpu.wait_dma2 semaphore(%arg11 : memref<!tpu.dma_semaphore, #tpu.memory_space<semaphore_mem>>) src(%arg7 : memref<4x128x64xf32, #tpu.memory_space<vmem>>) dst(%dma_wait3A_371 : memref<4x128x64xf32, #tpu.memory_space<hbm>>)
      %mul3A_372 = arith.constant 4 : i32
      %mul3A_373 = arith.muli %add3A_363, %mul3A_372 : i32
      %add3A_374 = arith.constant 0 : i32
      %add3A_375 = arith.addi %mul3A_373, %add3A_374 : i32
      %dma_start3A_376 = arith.constant 0 : i32
      %dma_start3A_377 = arith.constant 0 : i32
      %dma_start3A_378 = arith.constant 0 : i32
      %dma_start3A_379 = tpu.memref_slice %arg7[%dma_start3A_376, %dma_start3A_377, %dma_start3A_378] : memref<4x128x64xf32, #tpu.memory_space<vmem>> -> memref<1x128x64xf32, #tpu.memory_space<vmem>>
      %dma_start3A_380 = tpu.memref_squeeze %dma_start3A_379 : memref<1x128x64xf32, #tpu.memory_space<vmem>> -> memref<128x64xf32, #tpu.memory_space<vmem>>
      %dma_start3A_381 = arith.constant 0 : i32
      %dma_start3A_382 = tpu.memref_slice %arg5[%add3A_375, %dma_start3A_381] : memref<104x128xi32, #tpu.memory_space<vmem>> -> memref<1x128xi32, #tpu.memory_space<vmem>>
      %dma_start3A_383 = tpu.memref_squeeze %dma_start3A_382 : memref<1x128xi32, #tpu.memory_space<vmem>> -> memref<128xi32, #tpu.memory_space<vmem>>
      %dma_start3A_384 = arith.constant 0 : i32
      %dma_start3A_385 = arith.constant 0 : i32
      %dma_start3A_386 = tpu.memref_slice %arg3[%dma_start3A_384, %dma_start3A_385] : memref<5200000x64xf32, #tpu.memory_space<hbm>> -> memref<5200000x64xf32, #tpu.memory_space<hbm>>
      tpu.enqueue_indirect_dma source(%dma_start3A_386 : memref<5200000x64xf32, #tpu.memory_space<hbm>>) target(%dma_start3A_380 : memref<128x64xf32, #tpu.memory_space<vmem>>) offsets(%dma_start3A_383 : memref<128xi32, #tpu.memory_space<vmem>>) semaphore(%arg9 : memref<!tpu.dma_semaphore, #tpu.memory_space<semaphore_mem>>)
      %mul3A_387 = arith.constant 4 : i32
      %mul3A_388 = arith.muli %add3A_363, %mul3A_387 : i32
      %add3A_389 = arith.constant 1 : i32
      %add3A_390 = arith.addi %mul3A_388, %add3A_389 : i32
      %dma_start3A_391 = arith.constant 1 : i32
      %dma_start3A_392 = arith.constant 0 : i32
      %dma_start3A_393 = arith.constant 0 : i32
      %dma_start3A_394 = tpu.memref_slice %arg7[%dma_start3A_391, %dma_start3A_392, %dma_start3A_393] : memref<4x128x64xf32, #tpu.memory_space<vmem>> -> memref<1x128x64xf32, #tpu.memory_space<vmem>>
      %dma_start3A_395 = tpu.memref_squeeze %dma_start3A_394 : memref<1x128x64xf32, #tpu.memory_space<vmem>> -> memref<128x64xf32, #tpu.memory_space<vmem>>
      %dma_start3A_396 = arith.constant 0 : i32
      %dma_start3A_397 = tpu.memref_slice %arg5[%add3A_390, %dma_start3A_396] : memref<104x128xi32, #tpu.memory_space<vmem>> -> memref<1x128xi32, #tpu.memory_space<vmem>>
      %dma_start3A_398 = tpu.memref_squeeze %dma_start3A_397 : memref<1x128xi32, #tpu.memory_space<vmem>> -> memref<128xi32, #tpu.memory_space<vmem>>
      %dma_start3A_399 = arith.constant 0 : i32
      %dma_start3A_400 = arith.constant 0 : i32
      %dma_start3A_401 = tpu.memref_slice %arg3[%dma_start3A_399, %dma_start3A_400] : memref<5200000x64xf32, #tpu.memory_space<hbm>> -> memref<5200000x64xf32, #tpu.memory_space<hbm>>
      tpu.enqueue_indirect_dma source(%dma_start3A_401 : memref<5200000x64xf32, #tpu.memory_space<hbm>>) target(%dma_start3A_395 : memref<128x64xf32, #tpu.memory_space<vmem>>) offsets(%dma_start3A_398 : memref<128xi32, #tpu.memory_space<vmem>>) semaphore(%arg9 : memref<!tpu.dma_semaphore, #tpu.memory_space<semaphore_mem>>)
      %mul3A_402 = arith.constant 4 : i32
      %mul3A_403 = arith.muli %add3A_363, %mul3A_402 : i32
      %add3A_404 = arith.constant 2 : i32
      %add3A_405 = arith.addi %mul3A_403, %add3A_404 : i32
      %dma_start3A_406 = arith.constant 2 : i32
      %dma_start3A_407 = arith.constant 0 : i32
      %dma_start3A_408 = arith.constant 0 : i32
      %dma_start3A_409 = tpu.memref_slice %arg7[%dma_start3A_406, %dma_start3A_407, %dma_start3A_408] : memref<4x128x64xf32, #tpu.memory_space<vmem>> -> memref<1x128x64xf32, #tpu.memory_space<vmem>>
      %dma_start3A_410 = tpu.memref_squeeze %dma_start3A_409 : memref<1x128x64xf32, #tpu.memory_space<vmem>> -> memref<128x64xf32, #tpu.memory_space<vmem>>
      %dma_start3A_411 = arith.constant 0 : i32
      %dma_start3A_412 = tpu.memref_slice %arg5[%add3A_405, %dma_start3A_411] : memref<104x128xi32, #tpu.memory_space<vmem>> -> memref<1x128xi32, #tpu.memory_space<vmem>>
      %dma_start3A_413 = tpu.memref_squeeze %dma_start3A_412 : memref<1x128xi32, #tpu.memory_space<vmem>> -> memref<128xi32, #tpu.memory_space<vmem>>
      %dma_start3A_414 = arith.constant 0 : i32
      %dma_start3A_415 = arith.constant 0 : i32
      %dma_start3A_416 = tpu.memref_slice %arg3[%dma_start3A_414, %dma_start3A_415] : memref<5200000x64xf32, #tpu.memory_space<hbm>> -> memref<5200000x64xf32, #tpu.memory_space<hbm>>
      tpu.enqueue_indirect_dma source(%dma_start3A_416 : memref<5200000x64xf32, #tpu.memory_space<hbm>>) target(%dma_start3A_410 : memref<128x64xf32, #tpu.memory_space<vmem>>) offsets(%dma_start3A_413 : memref<128xi32, #tpu.memory_space<vmem>>) semaphore(%arg9 : memref<!tpu.dma_semaphore, #tpu.memory_space<semaphore_mem>>)
      %mul3A_417 = arith.constant 4 : i32
      %mul3A_418 = arith.muli %add3A_363, %mul3A_417 : i32
      %add3A_419 = arith.constant 3 : i32
      %add3A_420 = arith.addi %mul3A_418, %add3A_419 : i32
      %dma_start3A_421 = arith.constant 3 : i32
      %dma_start3A_422 = arith.constant 0 : i32
      %dma_start3A_423 = arith.constant 0 : i32
      %dma_start3A_424 = tpu.memref_slice %arg7[%dma_start3A_421, %dma_start3A_422, %dma_start3A_423] : memref<4x128x64xf32, #tpu.memory_space<vmem>> -> memref<1x128x64xf32, #tpu.memory_space<vmem>>
      %dma_start3A_425 = tpu.memref_squeeze %dma_start3A_424 : memref<1x128x64xf32, #tpu.memory_space<vmem>> -> memref<128x64xf32, #tpu.memory_space<vmem>>
      %dma_start3A_426 = arith.constant 0 : i32
      %dma_start3A_427 = tpu.memref_slice %arg5[%add3A_420, %dma_start3A_426] : memref<104x128xi32, #tpu.memory_space<vmem>> -> memref<1x128xi32, #tpu.memory_space<vmem>>
      %dma_start3A_428 = tpu.memref_squeeze %dma_start3A_427 : memref<1x128xi32, #tpu.memory_space<vmem>> -> memref<128xi32, #tpu.memory_space<vmem>>
      %dma_start3A_429 = arith.constant 0 : i32
      %dma_start3A_430 = arith.constant 0 : i32
      %dma_start3A_431 = tpu.memref_slice %arg3[%dma_start3A_429, %dma_start3A_430] : memref<5200000x64xf32, #tpu.memory_space<hbm>> -> memref<5200000x64xf32, #tpu.memory_space<hbm>>
      tpu.enqueue_indirect_dma source(%dma_start3A_431 : memref<5200000x64xf32, #tpu.memory_space<hbm>>) target(%dma_start3A_425 : memref<128x64xf32, #tpu.memory_space<vmem>>) offsets(%dma_start3A_428 : memref<128xi32, #tpu.memory_space<vmem>>) semaphore(%arg9 : memref<!tpu.dma_semaphore, #tpu.memory_space<semaphore_mem>>)
      %dma_wait3A_432 = arith.constant 0 : i32
      %dma_wait3A_433 = arith.constant 0 : i32
      %dma_wait3A_434 = arith.constant 0 : i32
      %dma_wait3A_435 = tpu.memref_slice %arg7[%dma_wait3A_432, %dma_wait3A_433, %dma_wait3A_434] : memref<4x128x64xf32, #tpu.memory_space<vmem>> -> memref<1x128x64xf32, #tpu.memory_space<vmem>>
      %dma_wait3A_436 = tpu.memref_squeeze %dma_wait3A_435 : memref<1x128x64xf32, #tpu.memory_space<vmem>> -> memref<128x64xf32, #tpu.memory_space<vmem>>
      %dma_wait3A_437 = arith.constant 0 : i32
      %dma_wait3A_438 = tpu.memref_slice %arg5[%add3A_375, %dma_wait3A_437] : memref<104x128xi32, #tpu.memory_space<vmem>> -> memref<1x128xi32, #tpu.memory_space<vmem>>
      %dma_wait3A_439 = tpu.memref_squeeze %dma_wait3A_438 : memref<1x128xi32, #tpu.memory_space<vmem>> -> memref<128xi32, #tpu.memory_space<vmem>>
      %dma_wait3A_440 = arith.constant 0 : i32
      %dma_wait3A_441 = arith.constant 0 : i32
      %dma_wait3A_442 = tpu.memref_slice %arg3[%dma_wait3A_440, %dma_wait3A_441] : memref<5200000x64xf32, #tpu.memory_space<hbm>> -> memref<5200000x64xf32, #tpu.memory_space<hbm>>
      tpu.wait_indirect_dma semaphore(%arg9 : memref<!tpu.dma_semaphore, #tpu.memory_space<semaphore_mem>>) src(%dma_wait3A_442 : memref<5200000x64xf32, #tpu.memory_space<hbm>>) dst(%dma_wait3A_436 : memref<128x64xf32, #tpu.memory_space<vmem>>)
      %dma_wait3A_443 = arith.constant 1 : i32
      %dma_wait3A_444 = arith.constant 0 : i32
      %dma_wait3A_445 = arith.constant 0 : i32
      %dma_wait3A_446 = tpu.memref_slice %arg7[%dma_wait3A_443, %dma_wait3A_444, %dma_wait3A_445] : memref<4x128x64xf32, #tpu.memory_space<vmem>> -> memref<1x128x64xf32, #tpu.memory_space<vmem>>
      %dma_wait3A_447 = tpu.memref_squeeze %dma_wait3A_446 : memref<1x128x64xf32, #tpu.memory_space<vmem>> -> memref<128x64xf32, #tpu.memory_space<vmem>>
      %dma_wait3A_448 = arith.constant 0 : i32
      %dma_wait3A_449 = tpu.memref_slice %arg5[%add3A_390, %dma_wait3A_448] : memref<104x128xi32, #tpu.memory_space<vmem>> -> memref<1x128xi32, #tpu.memory_space<vmem>>
      %dma_wait3A_450 = tpu.memref_squeeze %dma_wait3A_449 : memref<1x128xi32, #tpu.memory_space<vmem>> -> memref<128xi32, #tpu.memory_space<vmem>>
      %dma_wait3A_451 = arith.constant 0 : i32
      %dma_wait3A_452 = arith.constant 0 : i32
      %dma_wait3A_453 = tpu.memref_slice %arg3[%dma_wait3A_451, %dma_wait3A_452] : memref<5200000x64xf32, #tpu.memory_space<hbm>> -> memref<5200000x64xf32, #tpu.memory_space<hbm>>
      tpu.wait_indirect_dma semaphore(%arg9 : memref<!tpu.dma_semaphore, #tpu.memory_space<semaphore_mem>>) src(%dma_wait3A_453 : memref<5200000x64xf32, #tpu.memory_space<hbm>>) dst(%dma_wait3A_447 : memref<128x64xf32, #tpu.memory_space<vmem>>)
      %dma_wait3A_454 = arith.constant 2 : i32
      %dma_wait3A_455 = arith.constant 0 : i32
      %dma_wait3A_456 = arith.constant 0 : i32
      %dma_wait3A_457 = tpu.memref_slice %arg7[%dma_wait3A_454, %dma_wait3A_455, %dma_wait3A_456] : memref<4x128x64xf32, #tpu.memory_space<vmem>> -> memref<1x128x64xf32, #tpu.memory_space<vmem>>
      %dma_wait3A_458 = tpu.memref_squeeze %dma_wait3A_457 : memref<1x128x64xf32, #tpu.memory_space<vmem>> -> memref<128x64xf32, #tpu.memory_space<vmem>>
      %dma_wait3A_459 = arith.constant 0 : i32
      %dma_wait3A_460 = tpu.memref_slice %arg5[%add3A_405, %dma_wait3A_459] : memref<104x128xi32, #tpu.memory_space<vmem>> -> memref<1x128xi32, #tpu.memory_space<vmem>>
      %dma_wait3A_461 = tpu.memref_squeeze %dma_wait3A_460 : memref<1x128xi32, #tpu.memory_space<vmem>> -> memref<128xi32, #tpu.memory_space<vmem>>
      %dma_wait3A_462 = arith.constant 0 : i32
      %dma_wait3A_463 = arith.constant 0 : i32
      %dma_wait3A_464 = tpu.memref_slice %arg3[%dma_wait3A_462, %dma_wait3A_463] : memref<5200000x64xf32, #tpu.memory_space<hbm>> -> memref<5200000x64xf32, #tpu.memory_space<hbm>>
      tpu.wait_indirect_dma semaphore(%arg9 : memref<!tpu.dma_semaphore, #tpu.memory_space<semaphore_mem>>) src(%dma_wait3A_464 : memref<5200000x64xf32, #tpu.memory_space<hbm>>) dst(%dma_wait3A_458 : memref<128x64xf32, #tpu.memory_space<vmem>>)
      %dma_wait3A_465 = arith.constant 3 : i32
      %dma_wait3A_466 = arith.constant 0 : i32
      %dma_wait3A_467 = arith.constant 0 : i32
      %dma_wait3A_468 = tpu.memref_slice %arg7[%dma_wait3A_465, %dma_wait3A_466, %dma_wait3A_467] : memref<4x128x64xf32, #tpu.memory_space<vmem>> -> memref<1x128x64xf32, #tpu.memory_space<vmem>>
      %dma_wait3A_469 = tpu.memref_squeeze %dma_wait3A_468 : memref<1x128x64xf32, #tpu.memory_space<vmem>> -> memref<128x64xf32, #tpu.memory_space<vmem>>
      %dma_wait3A_470 = arith.constant 0 : i32
      %dma_wait3A_471 = tpu.memref_slice %arg5[%add3A_420, %dma_wait3A_470] : memref<104x128xi32, #tpu.memory_space<vmem>> -> memref<1x128xi32, #tpu.memory_space<vmem>>
      %dma_wait3A_472 = tpu.memref_squeeze %dma_wait3A_471 : memref<1x128xi32, #tpu.memory_space<vmem>> -> memref<128xi32, #tpu.memory_space<vmem>>
      %dma_wait3A_473 = arith.constant 0 : i32
      %dma_wait3A_474 = arith.constant 0 : i32
      %dma_wait3A_475 = tpu.memref_slice %arg3[%dma_wait3A_473, %dma_wait3A_474] : memref<5200000x64xf32, #tpu.memory_space<hbm>> -> memref<5200000x64xf32, #tpu.memory_space<hbm>>
      tpu.wait_indirect_dma semaphore(%arg9 : memref<!tpu.dma_semaphore, #tpu.memory_space<semaphore_mem>>) src(%dma_wait3A_475 : memref<5200000x64xf32, #tpu.memory_space<hbm>>) dst(%dma_wait3A_469 : memref<128x64xf32, #tpu.memory_space<vmem>>)
      %mul3A_476 = arith.constant 4 : i32
      %mul3A_477 = arith.muli %add3A_363, %mul3A_476 : i32
      %add3A_478 = arith.addi %mul3A_2, %mul3A_477 : i32
      %dma_start3A_479 = arith.constant 0 : i32
      %dma_start3A_480 = arith.constant 0 : i32
      %dma_start3A_481 = tpu.memref_slice %arg4[%add3A_478, %dma_start3A_479, %dma_start3A_480] : memref<3328x128x64xf32, #tpu.memory_space<hbm>> -> memref<4x128x64xf32, #tpu.memory_space<hbm>>
      %dma_start3A_482 = arith.constant 0 : i32
      %dma_start3A_483 = arith.constant 0 : i32
      %dma_start3A_484 = tpu.memref_slice %arg4[%add3A_478, %dma_start3A_482, %dma_start3A_483] : memref<3328x128x64xf32, #tpu.memory_space<hbm>> -> memref<4x128x64xf32, #tpu.memory_space<hbm>>
      tpu.enqueue_dma source(%arg7 : memref<4x128x64xf32, #tpu.memory_space<vmem>>) target(%dma_start3A_484 : memref<4x128x64xf32, #tpu.memory_space<hbm>>) target_semaphore(%arg11 : memref<!tpu.dma_semaphore, #tpu.memory_space<semaphore_mem>>)
    }
    %scan3A_219 = arith.constant 12 : i32
    %dma_wait3A_220 = arith.constant 0 : i32
    %dma_wait3A_221 = arith.constant 0 : i32
    %dma_wait3A_222 = arith.constant 0 : i32
    %dma_wait3A_223 = tpu.memref_slice %arg4[%dma_wait3A_220, %dma_wait3A_221, %dma_wait3A_222] : memref<3328x128x64xf32, #tpu.memory_space<hbm>> -> memref<4x128x64xf32, #tpu.memory_space<hbm>>
    %dma_wait3A_224 = arith.constant 0 : i32
    %dma_wait3A_225 = arith.constant 0 : i32
    %dma_wait3A_226 = arith.constant 0 : i32
    %dma_wait3A_227 = tpu.memref_slice %arg4[%dma_wait3A_224, %dma_wait3A_225, %dma_wait3A_226] : memref<3328x128x64xf32, #tpu.memory_space<hbm>> -> memref<4x128x64xf32, #tpu.memory_space<hbm>>
    tpu.wait_dma2 semaphore(%arg10 : memref<!tpu.dma_semaphore, #tpu.memory_space<semaphore_mem>>) src(%arg6 : memref<4x128x64xf32, #tpu.memory_space<vmem>>) dst(%dma_wait3A_227 : memref<4x128x64xf32, #tpu.memory_space<hbm>>)
    %dma_wait3A_228 = arith.constant 0 : i32
    %dma_wait3A_229 = arith.constant 0 : i32
    %dma_wait3A_230 = arith.constant 0 : i32
    %dma_wait3A_231 = tpu.memref_slice %arg4[%dma_wait3A_228, %dma_wait3A_229, %dma_wait3A_230] : memref<3328x128x64xf32, #tpu.memory_space<hbm>> -> memref<4x128x64xf32, #tpu.memory_space<hbm>>
    %dma_wait3A_232 = arith.constant 0 : i32
    %dma_wait3A_233 = arith.constant 0 : i32
    %dma_wait3A_234 = arith.constant 0 : i32
    %dma_wait3A_235 = tpu.memref_slice %arg4[%dma_wait3A_232, %dma_wait3A_233, %dma_wait3A_234] : memref<3328x128x64xf32, #tpu.memory_space<hbm>> -> memref<4x128x64xf32, #tpu.memory_space<hbm>>
    tpu.wait_dma2 semaphore(%arg11 : memref<!tpu.dma_semaphore, #tpu.memory_space<semaphore_mem>>) src(%arg7 : memref<4x128x64xf32, #tpu.memory_space<vmem>>) dst(%dma_wait3A_235 : memref<4x128x64xf32, #tpu.memory_space<hbm>>)
    return
  }
}

module attributes {stable_mosaic.version = 14 : i64} {
  func.func @_transpose_body(%arg0: i32, %arg1: i32, %arg2: memref<1x64x2048xf32, #tpu.memory_space<vmem>>, %arg3: memref<1x2048x128xf32, #tpu.memory_space<vmem>>) attributes {dimension_semantics = [#tpu.dimension_semantics<arbitrary>, #tpu.dimension_semantics<arbitrary>], iteration_bounds = array<i64: 26, 49>, scalar_prefetch = 0 : i64, scratch_operands = 0 : i64, tpu.core_type = #tpu.core_type<tc>, window_params = [{transform_indices = @transform_0, window_bounds = array<i64: 1, 64, 2048>}, {transform_indices = @transform_1, window_bounds = array<i64: 1, 2048, 128>}]} {
    %get3A = arith.constant 0 : index
    %get3A_0 = arith.constant 0 : index
    %get3A_1 = arith.constant 0 : index
    %get3A_2 = vector.load %arg2[%get3A, %get3A_0, %get3A_1] : memref<1x64x2048xf32, #tpu.memory_space<vmem>>, vector<1x64x2048xf32>
    %get3A_3 = vector.shape_cast %get3A_2 : vector<1x64x2048xf32> to vector<64x2048xf32>
    %transpose3A = tpu.transpose %get3A_3, [1, 0] : vector<64x2048xf32> -> vector<2048x64xf32>
    %swap3A = arith.constant 0 : index
    %swap3A_4 = arith.constant 0 : index
    %swap3A_5 = arith.constant 0 : index
    %swap3A_6 = vector.load %arg3[%swap3A, %swap3A_4, %swap3A_5] : memref<1x2048x128xf32, #tpu.memory_space<vmem>>, vector<1x2048x64xf32>
    %swap3A_7 = vector.shape_cast %swap3A_6 : vector<1x2048x64xf32> to vector<2048x64xf32>
    %swap3A_8 = vector.shape_cast %transpose3A : vector<2048x64xf32> to vector<1x2048x64xf32>
    tpu.vector_store %arg3[%swap3A, %swap3A_4, %swap3A_5], %swap3A_8 {strides = array<i32>} : memref<1x2048x128xf32, #tpu.memory_space<vmem>>, vector<1x2048x64xf32>,
    return
  }
  func.func @transform_0(%arg0: i32, %arg1: i32) -> (i32, i32, i32) {
    %c0_i32 = arith.constant 0 : i32
    %c0_i32_0 = arith.constant 0 : i32
    return %arg0, %c0_i32, %arg1 : i32, i32, i32
  }
  func.func @transform_1(%arg0: i32, %arg1: i32) -> (i32, i32, i32) {
    %c0_i32 = arith.constant 0 : i32
    %c0_i32_0 = arith.constant 0 : i32
    return %arg0, %arg1, %c0_i32 : i32, i32, i32
  }
}

</mosaic_0001>

<sc_bundles>
// kernel: kernel.4.cloned.1.call-start
scs
__scs_entry_jumppad:
0x0: {  	(pc) =	sbr.rel $0x88, $3  }
0x1: {  	(tag) =	ssettag $0x0;
	lr =	simm.s32 $0x1  }
0x2: {  	[smem:$0x3F9F] =	sst lr;
	_ =	strace $0xD0000000  }
0x3: {  	_ = 	snop  }
0x4: {  	_ = 	snop  }
0x5: {  	_ = 	snop  }
0x6: {  	_ = 	snop  }
0x7: {  	_ = 	snop  }
__scs_overlays_trampoline_lowered:
0x8: {  	[smem:$0x3FAE] =	sst s0  }
0x9: {  	[smem:$0x3FAF] =	sst s1  }
0xa: {  	[smem:$0x3FB0] =	sst s2  }
0xb: {  	[smem:$0x3FB1] =	sst s3  }
0xc: {  	[smem:$0x3FB2] =	sst s4  }
0xd: {  	[smem:$0x3FB3] =	sst s5  }
0xe: {  	[smem:$0x3FB4] =	sst s6  }
0xf: {  	[smem:$0x3FB5] =	sst s7  }
0x10: {  	[smem:$0x3FB6] =	sst s8  }
0x11: {  	[smem:$0x3FB7] =	sst s9;
	s0 =	simm.s32 @!p0 $0x0  }
0x12: {  	s1 =	sld [smem:$0x3F9D];
	s0 =	simm.s32 @p0 $0x1  }
0x13: {  	[smem:$0x3FB8] =	sst s0;
	s0 =	simm.s32 @!p1 $0x0  }
0x14: {  	s2 =	sld [smem:$0x3F9C];
	s0 =	simm.s32 @p1 $0x1  }
0x15: {  	[smem:$0x3FB9] =	sst s0;
	s0 =	simm.s32 @!p2 $0x0  }
0x16: {  	s3 =	sld [smem:$0x3FDB];
	s0 =	simm.s32 @p2 $0x1  }
0x17: {  	s4 =	simm.s32 $0x1BF5;
	[smem:$0x3FBB] =	sst s0  }
0x18: {  	s0 =	sld [smem:$0x3F9E];
	_ =	swait.ge [sflag:s4], $0x0  }
0x19: {  	s7 =	sld [smem:$0x3F9F]  }
0x1a: {  	s8 =	sadd.s32 $0xFFFFE003, lr  }
0x1b: {  	s9 =	sadd.s32 $0xFFFFFEF7, lr;
	s5 =	simm.s32 $0xFFFFFFFF;
	p2 =	slt.u32 s8, $0xFFFFF086  }
0x1c: {  	p1 =	slt.u32 s9, $0xF7A;
	s5 =	simm.s32 @!p2 $0x0  }
0x1d: {  	s5 =	simm.s32 @p1 $0x1;
	p0 =	seq.s32 s7, s2  }
0x1e: {  	s7 =	smul.u32 @!p0 $0xF7A, s2;
	p2 =	seq.s32 @!p0 s5, $0x0  }
0x1f: {  	s9 =	smul.u32 $0xF7A, s1;
	s8 =	simm.s32 @!p0 $0x1BF5;
	p2 =	por !p2, p0  }
0x20: {  	[sflag:s8] =	ssyncset.s32 @!p0 $0xFFFFF086;
	s6 =	sadd.s32 @!p0 s3, s7;
	s7 =	simm.s32 @!p0 $0x108  }
0x21: {  	s3 =	sadd.s32 s3, s9;
	s6 =	sadd.s32 @!p0 $0x88, s6;
	s7 =	simm.s32 @p2 $0x1082  }
0x22: {  	[simem:s7], [sflag:s8] =	dma.local @!p0 [hbm:s6], $0xF7A  }
0x23: {  	s9 =	sor.u32 $0xD0000000, s2;
	s6 =	simm.s32 $0x108;
	_ =	swait.ge @!p0 [sflag:s8], $0x0  }
0x24: {  	s3 =	sadd.s32 $0x88, s3;
	s6 =	simm.s32 @!p1 $0x1082;
	[sflag:s4] =	ssyncset.s32 $0xFFFFF086  }
0x25: {  	[simem:s6], [sflag:s4] =	dma.local [hbm:s3], $0xF7A  }
0x26: {  	[smem:$0x3F9F] =	sst s1;
	(tag) =	ssettag s2;
	_ =	strace s9  }
0x27: {  	s1 =	sld [smem:$0x3FAF]  }
0x28: {  	s2 =	sld [smem:$0x3FB0]  }
0x29: {  	s4 =	sld [smem:$0x3FB2]  }
0x2a: {  	p0 =	seq.s32 s5, $0x0;
	s5 =	sld [smem:$0x3FB3]  }
0x2b: {  	s6 =	sld [smem:$0x3FB4]  }
0x2c: {  	s7 =	sld [smem:$0x3FB5]  }
0x2d: {  	s3 =	simm.s32 $0x108;
	s8 =	sld [smem:$0x3FB6]  }
0x2e: {  	s3 =	simm.s32 @!p0 $0x1082;
	s9 =	sld [smem:$0x3FB7]  }
0x2f: {  	lr =	sadd.s32 s0, s3;
	s0 =	sld [smem:$0x3FAE]  }
0x30: {  	s3 =	sld [smem:$0x3FB1]  }
0x31: {  	[smem:$0x3FBA] =	sst s10  }
0x32: {  	s10 =	sld [smem:$0x3FB8];
	_ =	sdelay $0x3  }
0x33: {  	p0 =	seq.s32 s10, $0x1;
	s10 =	sld [smem:$0x3FBA];
	_ =	sdelay $0x3  }
0x34: {  	[smem:$0x3FBA] =	sst s10  }
0x35: {  	s10 =	sld [smem:$0x3FB9];
	_ =	sdelay $0x3  }
0x36: {  	p1 =	seq.s32 s10, $0x1;
	s10 =	sld [smem:$0x3FBA];
	_ =	sdelay $0x3  }
0x37: {  	[smem:$0x3FBA] =	sst s10  }
0x38: {  	s10 =	sld [smem:$0x3FBB]  }
0x39: {  	_ = 	snop;
	(pc) =	sbr.ind lr, $3  }
0x3a: {  	_ = 	snop  }
0x3b: {  	_ = 	snop  }
0x3c: {  	p2 =	seq.s32 s10, $0x1;
	s10 =	sld [smem:$0x3FBA]  }
0x3d: {  	_ =	shalt  }
0x3e: {  	_ =	shalt  }
0x3f: {  	_ =	shalt  }
0x40: {  	_ =	shalt  }
0x41: {  	_ =	shalt  }
0x42: {  	_ =	shalt  }
0x43: {  	_ =	shalt  }
0x44: {  	_ =	shalt  }
0x45: {  	_ =	shalt  }
0x46: {  	_ =	shalt  }
0x47: {  	_ =	shalt  }
0x48: {  	_ =	shalt  }
0x49: {  	_ =	shalt  }
0x4a: {  	_ =	shalt  }
0x4b: {  	_ =	shalt  }
0x4c: {  	_ =	shalt  }
0x4d: {  	_ =	shalt  }
0x4e: {  	_ =	shalt  }
0x4f: {  	_ =	shalt  }
0x50: {  	_ =	shalt  }
0x51: {  	_ =	shalt  }
0x52: {  	_ =	shalt  }
0x53: {  	_ =	shalt  }
0x54: {  	_ =	shalt  }
0x55: {  	_ =	shalt  }
0x56: {  	_ =	shalt  }
0x57: {  	_ =	shalt  }
0x58: {  	_ =	shalt  }
0x59: {  	_ =	shalt  }
0x5a: {  	_ =	shalt  }
0x5b: {  	_ =	shalt  }
0x5c: {  	_ =	shalt  }
0x5d: {  	_ =	shalt  }
0x5e: {  	_ =	shalt  }
0x5f: {  	_ =	shalt  }
0x60: {  	_ =	shalt  }
0x61: {  	_ =	shalt  }
0x62: {  	_ =	shalt  }
0x63: {  	_ =	shalt  }
0x64: {  	_ =	shalt  }
0x65: {  	_ =	shalt  }
0x66: {  	_ =	shalt  }
0x67: {  	_ =	shalt  }
0x68: {  	_ =	shalt  }
0x69: {  	_ =	shalt  }
0x6a: {  	_ =	shalt  }
0x6b: {  	_ =	shalt  }
0x6c: {  	_ =	shalt  }
0x6d: {  	_ =	shalt  }
0x6e: {  	_ =	shalt  }
0x6f: {  	_ =	shalt  }
0x70: {  	_ =	shalt  }
0x71: {  	_ =	shalt  }
0x72: {  	_ =	shalt  }
0x73: {  	_ =	shalt  }
0x74: {  	_ =	shalt  }
0x75: {  	_ =	shalt  }
0x76: {  	_ =	shalt  }
0x77: {  	_ =	shalt  }
0x78: {  	_ =	shalt  }
0x79: {  	_ =	shalt  }
0x7a: {  	_ =	shalt  }
0x7b: {  	_ =	shalt  }
0x7c: {  	_ =	shalt  }
0x7d: {  	_ =	shalt  }
0x7e: {  	_ =	shalt  }
0x7f: {  	_ =	shalt  }
0x80: {  	_ =	shalt  }
0x81: {  	_ =	shalt  }
0x82: {  	_ =	shalt  }
0x83: {  	_ =	shalt  }
0x84: {  	_ =	shalt  }
0x85: {  	_ =	shalt  }
0x86: {  	_ =	shalt  }
0x87: {  	_ =	shalt  }
.Lfunc_end0:
.L_simem_size_0:
called_computation_lowered:
.L_overlay_start_0:
0x88: {  	s2 =	sld [smem:$0x3FD9]  }
0x89: {  	s3 =	sld [smem:$0x3FFE];
	_ =	sdelay $0x1  }
0x8a: {  	s1 =	srdreg.scid  }
0x8b: {  	s0 =	sand.u32 $0x1, s1  }
0x8c: {  	s17 =	sshll.u32 s0, $0xA;
	s2 =	sadd.s32 s3, s2  }
0x8d: {  	s2 =	sadd.s32 s2, s17  }
0x8e: {  	[smem:$0x3FC6] =	sst s2  }
0x8f: {  	_ = 	snop  }
0x90: {  	s2 =	sld [smem:$0x3FD0];
	(tm) =	ssettm $0x1  }
0x91: {  	s18 =	sld [smem:$0x3FFB];
	_ =	sdelay $0x3  }
0x92: {  	_ =	strace s18  }
0x93: {  	s3 =	sld [smem:$0x3FFC];
	_ =	sdelay $0x3  }
0x94: {  	_ =	strace s3  }
0x95: {  	s3 =	sld [smem:$0x3FFD];
	_ =	sdelay $0x3  }
0x96: {  	_ =	strace s3  }
0x97: {  	_ =	strace $0x8FFFFFFF  }
0x98: {  	s19 =	sld [smem:$0x3FDB];
	_ =	sdelay $0x1  }
0x99: {  	s4 =	simm.s32 $_scs_section_size  }
0x9a: {  	s5 =	simm.s32 $_size__tile_overlayer_lowered;
	s6 =	simm.s32 $_tile_overlayer_lowered  }
0x9b: {  	s22 =	simm.s32 $0x1BFF;
	s21 =	sshll.u32 s6, $0x1;
	s3 =	sadd.s32 s4, s19  }
0x9c: {  	s7 =	simm.s32 $0x0;
	s20 =	sshll.u32 s5, $0x1;
	s5 =	sadd.s32 s21, s3  }
0x9d: {  	[timem:s7], [sflag:s22] =	dma.local [hbm:s5], s20  }
0x9e: {  	_ =	swait.ge [sflag:s22], s20  }
0x9f: {  	s4 =	ssub.s32 $0x0, s20;
	[sflag:s22] =	ssyncset.done $0x0  }
0xa0: {  	[sflag:s22] =	ssyncadd.s32 s4;
	_ =	sdelay $0x1  }
0xa1: {  	s23 =	simm.s32 $0x1B8B  }
0xa2: {  	_ =	swait.ge [sflag:s23], $0x1  }
0xa3: {  	[sflag:s23] =	ssyncset.done $0x0  }
0xa4: {  	s25 =	simm.s32 $0x1B8E;
	s24 =	sld [smem:$0x3FFE];
	[sflag:s23] =	ssyncadd.s32 $0xFFFFFFFF  }
0xa5: {  	s26 =	simm.s32 $execute0_lowered;
	[smem:$0x3FD2] =	sst s25  }
0xa6: {  	s5 =	sshll.u32 s26, $0x1;
	_ =	strace $0x80000046;
	[dreg:$0x1] =	wrdreg $0xFFFFFFFF  }
0xa7: {  	s28 =	simm.s32 $_size_execute0_lowered;
	s3 =	sadd.s32 s3, s5;
	[dreg:$0x0] =	wrdreg $0x0  }
0xa8: {  	s5 =	sshll.u32 s28, $0x1;
	[dreg:$0x2] =	wrdreg s3  }
0xa9: {  	[dreg:$0x3] =	wrdreg s5  }
0xaa: {  	[dreg:$0x4] =	wrdreg $0xC0  }
0xab: {  	_ =	task [dreg:s7], $0x5FFFF  }
0xac: {  	[dreg:$0x1] =	wrdreg $0xFFFFFFFF  }
0xad: {  	[dreg:$0x0] =	wrdreg $0x60  }
0xae: {  	[dreg:$0x2] =	wrdreg s2  }
0xaf: {  	[dreg:$0x3] =	wrdreg s24  }
0xb0: {  	[dreg:$0x4] =	wrdreg $0x9  }
0xb1: {  	_ =	task.clear_ibuf [dreg:s7], $0x5FFFF;
	_ =	strace $0x90000046  }
0xb2: {  	s29 =	simm.s32 $0x9;
	_ =	strace $0x80000048  }
0xb3: {  	_ =	swait.ge [sflag:s29], $0x1  }
0xb4: {  	[sflag:s29] =	ssyncadd.s32 $0xFFFFFFFF  }
0xb5: {  	_ =	strace $0x90000048  }
0xb6: {  	_ =	sfence  }
0xb7: {  	s30 =	sld [smem:$0x0];
	_ =	sdelay $0x2  }
0xb8: {  	s31 =	sshll.u32 s1, $0xD;
	s1 =	sshrl.u32 s1, $0x2  }
0xb9: {  	s3 =	sand.u32 $0x4000, s31;
	s1 =	sadd.s32 s1, s30  }
0xba: {  	s0 =	sor.u32 s3, s0;
	s1 =	sshll.u32 s1, $0x11  }
0xbb: {  	s0 =	sor.u32 s1, s0  }
0xbc: {  	s0 =	sadd.s32 $0x8F2B, s0  }
0xbd: {  	[sflag:s0] =	ssyncadd.remote.s32 $0x1  }
0xbe: {  	_ =	sfence.sel $0xFFFF  }
0xbf: {  	[dreg:$0x0] =	wrdreg $0xFFFFFFFF;
	(pc) =	sbr.abs _section_cstart, $3  }
0xc0: {  	[dreg:$0x1] =	wrdreg $0xFFFFFFFF  }
0xc1: {  	_ =	task.clear_ibuf [dreg:s7], $0x2FFFF;
	_ =	strace $0x9FFFFFFF  }
0xc2: {  	(tm) =	ssettm $0x7FFFFFFF  }
0xc3: {  	_ =	shalt  }
tec
execute0_lowered:
.L_overlay_start_1:
0x0: {  	(tag) =	ssettag $0x1  }
0x1: {  	s0 =	rddreg [dreg:$0x0]  }
0x2: {  	s1 =	rddreg [dreg:$0x1];
	s2 =	simm.s32 $0x0;
	s3 =	srdreg.scid  }
0x3: {  	s6 =	stileid.u32;
	s10 =	simm.s32 $0x5;
	s11 =	simm.s32 $0x80  }
0x4: {  	s12 =	simm.s32 $0x3400;
	s13 =	simm.s32 $0x5400;
	s15 =	simm.s32 $0x7400  }
0x5: {  	s17 =	simm.s32 $0x9400;
	s18 =	simm.s32 $0x1;
	s20 =	simm.s32 $0xB400  }
0x6: {  	s22 =	simm.s32 $0xD400;
	s28 =	simm.s32 $0x2;
	s29 =	simm.s32 $0x3  }
0x7: {  	s30 =	simm.s32 $0x4;
	s31 =	simm.s32 $0x0;
	[smem:$0x7FF] =	sst s2  }
0x8: {  	s4 =	sand.u32 $0x1, s3;
	s5 =	sshll.u32 s6, $0x1;
	s6 =	smul.u32 $0xD0, s6  }
0x9: {  	s3 =	sadd.s32 $0x400, s1;
	s5 =	sor.u32 s4, s5;
	s7 =	smul.u32 $0x68, s4  }
0xa: {  	s1 =	sadd.s32 $0x27AC800, s1;
	s4 =	ssub.s32 $0x2, s4;
	s8 =	smul.u32 $0x1A000, s5  }
0xb: {  	_ =	strace $0x80000047;
	s9 =	sshrl.u32 s4, $0x1;
	s5 =	smul.u32 $0x680, s5  }
0xc: {  	s6 =	sadd.s32 s7, s6;
	s24 =	ssub.s32 s4, s9;
	s4 =	sadd.s32 s1, s8  }
0xd: {  	s25 =	sshll.u32 s6, $0xA;
	s5 =	sadd.s32 s0, s5;
	s7 =	smax.u32 s24, $0x1  }
0xe: {  	s24 =	simm.s32 $0xF400;
	s6 =	sadd.s32 $0x1000, s4;
	s26 =	sadd.s32 s1, s25  }
0xf: {  	v0 =	vlaneseq.u32;
	s16 =	sadd.s32 $0x3000, s26;
	s9 =	sadd.s32 $0x2000, s26;
	s26 =	simm.s32 $0x11400  }
.LBB2_1:
0x10: {  	s0 =	simm.s32 $0x10  }
0x11: {  	s1 =	simm.s32 $0x0;
	v1 =	vor.u32 s0, v0  }
0x12: {  	s19 =	simm.s32 $0x60;
	v2 =	vor.u32 s1, v0;
	v3 =	vmulhi.u32 $0x4EC4EC4F, v1  }
0x13: {  	s21 =	simm.s32 $0x30;
	v4 =	vor.u32 s19, v0;
	v5 =	vmulhi.u32 $0x4EC4EC4F, v2  }
0x14: {  	s14 =	simm.s32 $0x50;
	v6 =	vor.u32 s21, v0;
	v7 =	vmulhi.u32 $0x4EC4EC4F, v4  }
0x15: {  	s23 =	simm.s32 $0x20;
	v8 =	vor.u32 s14, v0;
	v11 =	vmulhi.u32 $0x4EC4EC4F, v6  }
0x16: {  	s8 =	simm.s32 $0x40;
	s25 =	simm.s32 $0x70;
	v10 =	vor.u32 s23, v0;
	v12 =	vmulhi.u32 $0x4EC4EC4F, v8  }
0x17: {  	[tilespmem:s2], [sflag:$0x5] =	stream.linear.gather [hbm4b:s5+s2], $0x3400, $0x38;
	v9 =	vor.u32 s8, v0;
	v17 =	vor.u32 s25, v0;
	v13 =	vmulhi.u32 $0x4EC4EC4F, v10;
	[tilespmem:$0x13400] =	vst v63  }
0x18: {  	_ =	swait.ge [sflag:s10], $0x3400;
	v15 =	vmulhi.u32 $0x4EC4EC4F, v9;
	v5 =	vshrl.u32 v5, $0x3;
	v7 =	vshrl.u32 v7, $0x3  }
0x19: {  	[sflag:s10] =	ssyncset.done $0x0;
	v3 =	vshrl.u32 v3, $0x3;
	v13 =	vshrl.u32 v13, $0x3;
	v5 =	vmul.u32 $0x1A, v5  }
0x1a: {  	s0 =	simm.s32 $0x40;
	[sflag:s10] =	ssyncadd.s32 $0xFFFFCC00;
	v12 =	vshrl.u32 v12, $0x3;
	v11 =	vshrl.u32 v11, $0x3;
	v3 =	vmul.u32 $0x1A, v3  }
0x1b: {  	v14 =	vld [tilespmem:s0+$0xFFFFFFC0];
	v7 =	vmul.u32 $0x1A, v7;
	v2 =	vsub.s32 v2, v5;
	v5 =	vmulhi.u32 $0x4EC4EC4F, v17  }
0x1c: {  	v16 =	vld [tilespmem:s0+$0x20];
	v61 =	vshrl.u32 v15, $0x3;
	v12 =	vmul.u32 $0x1A, v12;
	v11 =	vmul.u32 $0x1A, v11  }
0x1d: {  	v4 =	vsub.s32 v4, v7;
	v1 =	vsub.s32 v1, v3;
	v3 =	vld [tilespmem:s0+$0xFFFFFFD0];
	v5 =	vshrl.u32 v5, $0x3  }
0x1e: {  	v62 =	vld [tilespmem:s0+$0x30];
	v7 =	vmul.u32 $0x1A, v13;
	v13 =	vmul.u32 $0x1A, v61;
	v5 =	vmul.u32 $0x1A, v5  }
0x1f: {  	v6 =	vsub.s32 v6, v11;
	v2 =	vmul.u32 $0x186A0, v2;
	v4 =	vmul.u32 $0x186A0, v4  }
0x20: {  	v8 =	vsub.s32 v8, v12;
	v1 =	vmul.u32 $0x186A0, v1;
	v5 =	vsub.s32 v17, v5  }
0x21: {  	v14 =	vadd.s32 v2, v14;
	v2 =	vadd.s32 v4, v16;
	v4 =	vld [tilespmem:s0+$0xFFFFFFF0];
	v5 =	vmul.u32 $0x186A0, v5  }
0x22: {  	v10 =	vsub.s32 v10, v7;
	v14 =	vshll.u32 v14, $0x1;
	v1 =	vadd.s32 v1, v3;
	v3 =	vld [tilespmem:s0+$0xFFFFFFE0]  }
0x23: {  	v7 =	vmul.u32 $0x186A0, v6;
	[tilespmem:s0+$0xFFFFFFC0] =	vst v14;
	v63 =	vshll.u32 v1, $0x1;
	v1 =	vld [tilespmem:s0+$0x10];
	v11 =	vadd.s32 v5, v62  }
0x24: {  	s1 =	simm.s32 $0xF0;
	s14 =	simm.s32 $0xC0;
	v6 =	vmul.u32 $0x186A0, v10;
	v10 =	vsub.s32 v9, v13;
	[tilespmem:s0+$0xFFFFFFD0] =	vst v63;
	v5 =	vld [tilespmem:s0+$0x0];
	v9 =	vshll.u32 v11, $0x1  }
.LBB2_2:
0x25: {  	s8 =	sadd.s32 $0xFFFFFF90, s1  }
0x26: {  	s19 =	sadd.s32 $0xFFFFFFA0, s1;
	s21 =	sadd.s32 $0xFFFFFFB0, s1;
	v4 =	vadd.s32 v7, v4;
	v7 =	vmul.u32 $0x186A0, v10;
	v8 =	vmul.u32 $0x186A0, v8;
	s23 =	smov.u32 s1  }
0x27: {  	s25 =	sadd.s32 $0xFFFFFFE0, s1;
	v10 =	vor.u32 s8, v0;
	v11 =	vor.u32 s19, v0;
	s8 =	sadd.s32 $0xFFFFFFC0, s1;
	s19 =	sadd.s32 $0xFFFFFFD0, s1;
	v3 =	vadd.s32 v6, v3;
	[tilespmem:s0+$0x30] =	vst v9  }
0x28: {  	p0 =	sne.s32 s1, $0x33F0;
	s1 =	sadd.s32 $0x80, s1;
	v4 =	vshll.u32 v4, $0x1;
	v6 =	vor.u32 s8, v0;
	v9 =	vor.u32 s19, v0;
	s8 =	sadd.s32 $0xFFFFFFF0, s23  }
0x29: {  	v12 =	vor.u32 s25, v0;
	v13 =	vor.u32 s8, v0;
	[tilespmem:s0+$0xFFFFFFF0] =	vst v4;
	v4 =	vadd.s32 v7, v5  }
0x2a: {  	v5 =	vmulhi.u32 $0x4EC4EC4F, v11;
	v7 =	vor.u32 s21, v0;
	v4 =	vshll.u32 v4, $0x1  }
0x2b: {  	v14 =	vmulhi.u32 $0x4EC4EC4F, v10;
	v3 =	vshll.u32 v3, $0x1;
	v1 =	vadd.s32 v8, v1;
	[tilespmem:s0+$0x0] =	vst v4  }
0x2c: {  	v2 =	vshll.u32 v2, $0x1;
	v1 =	vshll.u32 v1, $0x1;
	v4 =	vmulhi.u32 $0x4EC4EC4F, v13;
	[tilespmem:s0+$0xFFFFFFE0] =	vst v3  }
0x2d: {  	v3 =	vmulhi.u32 $0x4EC4EC4F, v6;
	[tilespmem:s0+$0x10] =	vst v1  }
0x2e: {  	v8 =	vshrl.u32 v14, $0x3;
	v14 =	vmulhi.u32 $0x4EC4EC4F, v12;
	v4 =	vshrl.u32 v4, $0x3;
	v1 =	vld [tilespmem:s14+$0x10];
	[tilespmem:s0+$0x20] =	vst v2;
	s0 =	smov.u32 s14  }
0x2f: {  	v5 =	vshrl.u32 v5, $0x3;
	v2 =	vmul.u32 $0x1A, v8;
	v8 =	vmulhi.u32 $0x4EC4EC4F, v7  }
0x30: {  	v16 =	vmulhi.u32 $0x4EC4EC4F, v9;
	v5 =	vmul.u32 $0x1A, v5;
	v4 =	vmul.u32 $0x1A, v4;
	v15 =	vld [tilespmem:s14+$0xFFFFFFC0]  }
0x31: {  	v18 =	vor.u32 s23, v0;
	v14 =	vshrl.u32 v14, $0x3;
	v8 =	vshrl.u32 v8, $0x3;
	v17 =	vld [tilespmem:s14+$0x20]  }
0x32: {  	v2 =	vsub.s32 v10, v2;
	v4 =	vsub.s32 v13, v4;
	v10 =	vmulhi.u32 $0x4EC4EC4F, v18  }
0x33: {  	v5 =	vsub.s32 v11, v5;
	v2 =	vmul.u32 $0x186A0, v2;
	v4 =	vmul.u32 $0x186A0, v4;
	v11 =	vld [tilespmem:s14+$0xFFFFFFD0]  }
0x34: {  	v13 =	vmul.u32 $0x1A, v14;
	v8 =	vmul.u32 $0x1A, v8;
	v10 =	vshrl.u32 v10, $0x3  }
0x35: {  	v5 =	vmul.u32 $0x186A0, v5;
	v14 =	vshrl.u32 v16, $0x3;
	v10 =	vmul.u32 $0x1A, v10;
	v16 =	vld [tilespmem:s14+$0x30]  }
0x36: {  	v3 =	vshrl.u32 v3, $0x3;
	v15 =	vadd.s32 v2, v15;
	v2 =	vadd.s32 v4, v17  }
.Ltmp0:
0x37: {  	v10 =	vsub.s32 v18, v10;
	v15 =	vshll.u32 v15, $0x1;
	v17 =	vmul.u32 $0x1A, v3;
	v4 =	vld [tilespmem:s14+$0xFFFFFFF0];
	(pc) =	sbr.rel @p0 .LBB2_2-.Ltmp0, $4  }
0x38: {  	v10 =	vmul.u32 $0x186A0, v10;
	[tilespmem:s14+$0xFFFFFFC0] =	vst v15;
	v5 =	vadd.s32 v5, v11;
	v3 =	vld [tilespmem:s14+$0xFFFFFFE0];
	v11 =	vmul.u32 $0x1A, v14  }
0x39: {  	v14 =	vsub.s32 v7, v8;
	v6 =	vsub.s32 v6, v17;
	v5 =	vshll.u32 v5, $0x1  }
0x3a: {  	v8 =	vsub.s32 v12, v13;
	v7 =	vmul.u32 $0x186A0, v6;
	[tilespmem:s14+$0xFFFFFFD0] =	vst v5;
	v5 =	vld [tilespmem:s14+$0x0];
	v12 =	vadd.s32 v10, v16  }
0x3b: {  	v6 =	vmul.u32 $0x186A0, v14;
	v10 =	vsub.s32 v9, v11;
	s14 =	sadd.s32 $0x80, s14;
	v9 =	vshll.u32 v12, $0x1  }
0x3c: {  	v4 =	vadd.s32 v7, v4;
	v62 =	vmul.u32 $0x186A0, v8;
	[tilespmem:s0+$0x30] =	vst v9;
	v2 =	vshll.u32 v2, $0x1  }
0x3d: {  	v10 =	vmul.u32 $0x186A0, v10;
	v4 =	vshll.u32 v4, $0x1;
	v3 =	vadd.s32 v6, v3;
	[tilespmem:s0+$0x20] =	vst v2  }
0x3e: {  	[tilespmem:s0+$0xFFFFFFF0] =	vst v4;
	v3 =	vshll.u32 v3, $0x1;
	v1 =	vadd.s32 v62, v1  }
0x3f: {  	v5 =	vadd.s32 v10, v5;
	[tilespmem:s0+$0xFFFFFFE0] =	vst v3;
	v1 =	vshll.u32 v1, $0x1  }
0x40: {  	v63 =	vshll.u32 v5, $0x1;
	[tilespmem:s0+$0x10] =	vst v1  }
0x41: {  	s25 =	simm.s32 $0x0;
	[tilespmem:s0+$0x0] =	vst v63  }
0x42: {  	[tilespmem:s12], [sflag:$0x1] =	stream.indirect.gather [hbm4b:s3+s11], $0x40, s25, s11, $0xb8;
	[tilespmem:$0x13400] =	vst v63  }
0x43: {  	_ = 	snop  }
0x44: {  	[tilespmem:s13], [sflag:$0x1] =	stream.indirect.gather [hbm4b:s3+s11], $0x40, s11, s11, $0xb8;
	[tilespmem:$0x13400] =	vst v63  }
0x45: {  	s1 =	simm.s32 $0x100  }
0x46: {  	[tilespmem:s15], [sflag:$0x1] =	stream.indirect.gather [hbm4b:s3+s11], $0x40, s1, s11, $0xb8;
	[tilespmem:$0x13400] =	vst v63  }
0x47: {  	s8 =	simm.s32 $0x180  }
0x48: {  	[tilespmem:s17], [sflag:$0x1] =	stream.indirect.gather [hbm4b:s3+s11], $0x40, s8, s11, $0xb8;
	[tilespmem:$0x13400] =	vst v63  }
0x49: {  	_ =	swait.ge [sflag:s18], $0x2000  }
0x4a: {  	[sflag:s18] =	ssyncset.done $0x0  }
0x4b: {  	[sflag:s18] =	ssyncadd.s32 $0xFFFFE000  }
0x4c: {  	_ =	swait.ge [sflag:s18], $0x2000  }
0x4d: {  	[sflag:s18] =	ssyncset.done $0x0  }
0x4e: {  	[sflag:s18] =	ssyncadd.s32 $0xFFFFE000  }
0x4f: {  	_ =	swait.ge [sflag:s18], $0x2000  }
0x50: {  	[sflag:s18] =	ssyncset.done $0x0  }
0x51: {  	[sflag:s18] =	ssyncadd.s32 $0xFFFFE000  }
0x52: {  	_ =	swait.ge [sflag:s18], $0x2000  }
0x53: {  	[sflag:s18] =	ssyncset.done $0x0  }
0x54: {  	[sflag:s18] =	ssyncadd.s32 $0xFFFFE000  }
0x55: {  	[hbm4b:s4+s25] =	stream.linear.scatter [tilespmem:s12], [sflag:$0x3], $0x8000, $0x38;
	[tilespmem:$0x13400] =	vst v63  }
0x56: {  	s14 =	simm.s32 $0x200  }
0x57: {  	[tilespmem:s20], [sflag:$0x2] =	stream.indirect.gather [hbm4b:s3+s11], $0x40, s14, s11, $0xb8;
	[tilespmem:$0x13400] =	vst v63  }
0x58: {  	s19 =	simm.s32 $0x280  }
0x59: {  	[tilespmem:s22], [sflag:$0x2] =	stream.indirect.gather [hbm4b:s3+s11], $0x40, s19, s11, $0xb8;
	[tilespmem:$0x13400] =	vst v63  }
0x5a: {  	s21 =	simm.s32 $0x300  }
0x5b: {  	[tilespmem:s24], [sflag:$0x2] =	stream.indirect.gather [hbm4b:s3+s11], $0x40, s21, s11, $0xb8;
	[tilespmem:$0x13400] =	vst v63  }
0x5c: {  	s23 =	simm.s32 $0x380  }
0x5d: {  	[tilespmem:s26], [sflag:$0x2] =	stream.indirect.gather [hbm4b:s3+s11], $0x40, s23, s11, $0xb8;
	[tilespmem:$0x13400] =	vst v63  }
0x5e: {  	_ =	swait.ge [sflag:s28], $0x2000  }
0x5f: {  	[sflag:s28] =	ssyncset.done $0x0  }
0x60: {  	[sflag:s28] =	ssyncadd.s32 $0xFFFFE000  }
0x61: {  	_ =	swait.ge [sflag:s28], $0x2000  }
0x62: {  	[sflag:s28] =	ssyncset.done $0x0  }
0x63: {  	[sflag:s28] =	ssyncadd.s32 $0xFFFFE000  }
0x64: {  	_ =	swait.ge [sflag:s28], $0x2000  }
0x65: {  	[sflag:s28] =	ssyncset.done $0x0  }
0x66: {  	[sflag:s28] =	ssyncadd.s32 $0xFFFFE000  }
0x67: {  	_ =	swait.ge [sflag:s28], $0x2000  }
0x68: {  	[sflag:s28] =	ssyncset.done $0x0  }
0x69: {  	[sflag:s28] =	ssyncadd.s32 $0xFFFFE000  }
0x6a: {  	[hbm4b:s6+s25] =	stream.linear.scatter [tilespmem:s20], [sflag:$0x4], $0x8000, $0x38;
	[tilespmem:$0x13400] =	vst v63  }
0x6b: {  	_ =	swait.ge [sflag:s29], $0x8000  }
0x6c: {  	[sflag:s29] =	ssyncset.done $0x0  }
0x6d: {  	s25 =	simm.s32 $0x400;
	[sflag:s29] =	ssyncadd.s32 $0xFFFF8000  }
0x6e: {  	[tilespmem:s12], [sflag:$0x1] =	stream.indirect.gather [hbm4b:s3+s11], $0x40, s25, s11, $0xb8;
	[tilespmem:$0x13400] =	vst v63  }
0x6f: {  	s1 =	simm.s32 $0x480  }
0x70: {  	[tilespmem:s13], [sflag:$0x1] =	stream.indirect.gather [hbm4b:s3+s11], $0x40, s1, s11, $0xb8;
	[tilespmem:$0x13400] =	vst v63  }
0x71: {  	s8 =	simm.s32 $0x500  }
0x72: {  	[tilespmem:s15], [sflag:$0x1] =	stream.indirect.gather [hbm4b:s3+s11], $0x40, s8, s11, $0xb8;
	[tilespmem:$0x13400] =	vst v63  }
0x73: {  	s14 =	simm.s32 $0x580  }
0x74: {  	[tilespmem:s17], [sflag:$0x1] =	stream.indirect.gather [hbm4b:s3+s11], $0x40, s14, s11, $0xb8;
	[tilespmem:$0x13400] =	vst v63  }
0x75: {  	_ =	swait.ge [sflag:s18], $0x2000  }
0x76: {  	[sflag:s18] =	ssyncset.done $0x0  }
0x77: {  	[sflag:s18] =	ssyncadd.s32 $0xFFFFE000  }
0x78: {  	_ =	swait.ge [sflag:s18], $0x2000  }
0x79: {  	[sflag:s18] =	ssyncset.done $0x0  }
0x7a: {  	[sflag:s18] =	ssyncadd.s32 $0xFFFFE000  }
0x7b: {  	_ =	swait.ge [sflag:s18], $0x2000  }
0x7c: {  	[sflag:s18] =	ssyncset.done $0x0  }
0x7d: {  	[sflag:s18] =	ssyncadd.s32 $0xFFFFE000  }
0x7e: {  	_ =	swait.ge [sflag:s18], $0x2000  }
0x7f: {  	[sflag:s18] =	ssyncset.done $0x0  }
0x80: {  	[sflag:s18] =	ssyncadd.s32 $0xFFFFE000  }
0x81: {  	[hbm4b:s9+s2] =	stream.linear.scatter [tilespmem:s12], [sflag:$0x3], $0x8000, $0x38;
	[tilespmem:$0x13400] =	vst v63  }
0x82: {  	_ =	swait.ge [sflag:s30], $0x8000  }
0x83: {  	[sflag:s30] =	ssyncset.done $0x0  }
0x84: {  	s19 =	simm.s32 $0x600;
	[sflag:s30] =	ssyncadd.s32 $0xFFFF8000  }
0x85: {  	[tilespmem:s20], [sflag:$0x2] =	stream.indirect.gather [hbm4b:s3+s11], $0x40, s19, s11, $0xb8;
	[tilespmem:$0x13400] =	vst v63  }
0x86: {  	s21 =	simm.s32 $0x680  }
0x87: {  	[tilespmem:s22], [sflag:$0x2] =	stream.indirect.gather [hbm4b:s3+s11], $0x40, s21, s11, $0xb8;
	[tilespmem:$0x13400] =	vst v63  }
0x88: {  	s23 =	simm.s32 $0x700  }
0x89: {  	[tilespmem:s24], [sflag:$0x2] =	stream.indirect.gather [hbm4b:s3+s11], $0x40, s23, s11, $0xb8;
	[tilespmem:$0x13400] =	vst v63  }
0x8a: {  	s25 =	simm.s32 $0x780  }
0x8b: {  	[tilespmem:s26], [sflag:$0x2] =	stream.indirect.gather [hbm4b:s3+s11], $0x40, s25, s11, $0xb8;
	[tilespmem:$0x13400] =	vst v63  }
0x8c: {  	_ =	swait.ge [sflag:s28], $0x2000  }
0x8d: {  	[sflag:s28] =	ssyncset.done $0x0  }
0x8e: {  	[sflag:s28] =	ssyncadd.s32 $0xFFFFE000  }
0x8f: {  	_ =	swait.ge [sflag:s28], $0x2000  }
0x90: {  	[sflag:s28] =	ssyncset.done $0x0  }
0x91: {  	[sflag:s28] =	ssyncadd.s32 $0xFFFFE000  }
0x92: {  	_ =	swait.ge [sflag:s28], $0x2000  }
0x93: {  	[sflag:s28] =	ssyncset.done $0x0  }
0x94: {  	[sflag:s28] =	ssyncadd.s32 $0xFFFFE000  }
0x95: {  	_ =	swait.ge [sflag:s28], $0x2000  }
0x96: {  	s0 =	simm.s32 $0x1000;
	s1 =	sadd.s32 $0x2000, s16;
	[sflag:s28] =	ssyncset.done $0x0  }
0x97: {  	s8 =	smov.u32 s16;
	s14 =	sadd.s32 $0x2000, s9;
	[sflag:s28] =	ssyncadd.s32 $0xFFFFE000  }
.LBB2_4:
0x98: {  	[hbm4b:s8+s2] =	stream.linear.scatter [tilespmem:s20], [sflag:$0x4], $0x8000, $0x38;
	[tilespmem:$0x13400] =	vst v63  }
0x99: {  	s19 =	smov.u32 s0;
	s8 =	smov.u32 s1  }
0x9a: {  	p0 =	sne.s32 s0, $0xB000;
	s0 =	sadd.s32 $0x1000, s0;
	_ =	swait.ge [sflag:s29], $0x8000  }
0x9b: {  	s19 =	sshra.s32 s19, $0x2;
	[sflag:s29] =	ssyncset.done $0x0  }
0x9c: {  	s21 =	sadd.s32 $0x400, s19;
	[sflag:s29] =	ssyncadd.s32 $0xFFFF8000  }
0x9d: {  	[tilespmem:s12], [sflag:$0x1] =	stream.indirect.gather [hbm4b:s3+s11], $0x40, s21, s11, $0xb8;
	[tilespmem:$0x13400] =	vst v63  }
0x9e: {  	s21 =	sadd.s32 $0x480, s19  }
0x9f: {  	[tilespmem:s13], [sflag:$0x1] =	stream.indirect.gather [hbm4b:s3+s11], $0x40, s21, s11, $0xb8;
	[tilespmem:$0x13400] =	vst v63  }
0xa0: {  	s21 =	sadd.s32 $0x500, s19  }
0xa1: {  	[tilespmem:s15], [sflag:$0x1] =	stream.indirect.gather [hbm4b:s3+s11], $0x40, s21, s11, $0xb8;
	[tilespmem:$0x13400] =	vst v63  }
0xa2: {  	s21 =	sadd.s32 $0x580, s19  }
0xa3: {  	[tilespmem:s17], [sflag:$0x1] =	stream.indirect.gather [hbm4b:s3+s11], $0x40, s21, s11, $0xb8;
	[tilespmem:$0x13400] =	vst v63  }
0xa4: {  	_ =	swait.ge [sflag:s18], $0x2000  }
0xa5: {  	[sflag:s18] =	ssyncset.done $0x0  }
0xa6: {  	[sflag:s18] =	ssyncadd.s32 $0xFFFFE000  }
0xa7: {  	_ =	swait.ge [sflag:s18], $0x2000  }
0xa8: {  	[sflag:s18] =	ssyncset.done $0x0  }
0xa9: {  	[sflag:s18] =	ssyncadd.s32 $0xFFFFE000  }
0xaa: {  	_ =	swait.ge [sflag:s18], $0x2000  }
0xab: {  	[sflag:s18] =	ssyncset.done $0x0  }
0xac: {  	[sflag:s18] =	ssyncadd.s32 $0xFFFFE000  }
0xad: {  	_ =	swait.ge [sflag:s18], $0x2000  }
0xae: {  	[sflag:s18] =	ssyncset.done $0x0  }
0xaf: {  	[sflag:s18] =	ssyncadd.s32 $0xFFFFE000  }
0xb0: {  	[hbm4b:s14+s2] =	stream.linear.scatter [tilespmem:s12], [sflag:$0x3], $0x8000, $0x38;
	[tilespmem:$0x13400] =	vst v63  }
0xb1: {  	_ =	swait.ge [sflag:s30], $0x8000  }
0xb2: {  	[sflag:s30] =	ssyncset.done $0x0  }
0xb3: {  	s21 =	sadd.s32 $0x600, s19;
	[sflag:s30] =	ssyncadd.s32 $0xFFFF8000  }
0xb4: {  	[tilespmem:s20], [sflag:$0x2] =	stream.indirect.gather [hbm4b:s3+s11], $0x40, s21, s11, $0xb8;
	[tilespmem:$0x13400] =	vst v63  }
0xb5: {  	s21 =	sadd.s32 $0x680, s19  }
0xb6: {  	[tilespmem:s22], [sflag:$0x2] =	stream.indirect.gather [hbm4b:s3+s11], $0x40, s21, s11, $0xb8;
	[tilespmem:$0x13400] =	vst v63  }
0xb7: {  	s21 =	sadd.s32 $0x700, s19  }
0xb8: {  	[tilespmem:s24], [sflag:$0x2] =	stream.indirect.gather [hbm4b:s3+s11], $0x40, s21, s11, $0xb8;
	[tilespmem:$0x13400] =	vst v63  }
0xb9: {  	s19 =	sadd.s32 $0x780, s19  }
0xba: {  	[tilespmem:s26], [sflag:$0x2] =	stream.indirect.gather [hbm4b:s3+s11], $0x40, s19, s11, $0xb8;
	[tilespmem:$0x13400] =	vst v63  }
0xbb: {  	_ =	swait.ge [sflag:s28], $0x2000  }
0xbc: {  	[sflag:s28] =	ssyncset.done $0x0  }
0xbd: {  	[sflag:s28] =	ssyncadd.s32 $0xFFFFE000  }
0xbe: {  	_ =	swait.ge [sflag:s28], $0x2000  }
0xbf: {  	[sflag:s28] =	ssyncset.done $0x0  }
0xc0: {  	[sflag:s28] =	ssyncadd.s32 $0xFFFFE000  }
0xc1: {  	_ =	swait.ge [sflag:s28], $0x2000  }
.Ltmp1:
0xc2: {  	[sflag:s28] =	ssyncset.done $0x0;
	(pc) =	sbr.rel @p0 .LBB2_4-.Ltmp1, $4  }
0xc3: {  	[sflag:s28] =	ssyncadd.s32 $0xFFFFE000  }
0xc4: {  	_ =	swait.ge [sflag:s28], $0x2000  }
0xc5: {  	[sflag:s28] =	ssyncset.done $0x0  }
0xc6: {  	s1 =	sadd.s32 $0x2000, s1;
	s14 =	sadd.s32 $0x2000, s14;
	[sflag:s28] =	ssyncadd.s32 $0xFFFFE000  }
0xc7: {  	[hbm4b:s8+s2] =	stream.linear.scatter [tilespmem:s20], [sflag:$0x4], $0x8000, $0x38;
	[tilespmem:$0x13400] =	vst v63  }
0xc8: {  	s31 =	sadd.s32 $0x1, s31  }
0xc9: {  	_ =	swait.ge [sflag:s29], $0x8000;
	p0 =	sne.s32 s31, s7  }
.Ltmp2:
0xca: {  	[sflag:s29] =	ssyncset.done $0x0;
	(pc) =	sbr.rel @p0 .LBB2_1-.Ltmp2, $4  }
0xcb: {  	[sflag:s29] =	ssyncadd.s32 $0xFFFF8000  }
0xcc: {  	_ =	swait.ge [sflag:s30], $0x8000  }
0xcd: {  	[sflag:s30] =	ssyncset.done $0x0  }
0xce: {  	[sflag:s30] =	ssyncadd.s32 $0xFFFF8000  }
0xcf: {  	_ =	sfence.sel $0x180000  }
0xd0: {  	[bflag:$0x0] =	sbarrier.arrive $0xFFFF  }
0xd1: {  	_ =	strace $0x90000047  }
0xd2: {  	s0 =	stileid.u32;
	[bflag:$0x2] =	sbarrier.arrive $0xFFFF  }
0xd3: {  	p0 =	sne.s32 s0, $0x0;
	s0 =	rddreg [dreg:$0x2]  }
0xd4: {  	s0 =	sadd.s32 @!p0 $0x100000, s0  }
0xd5: {  	[sflag:s0] =	ssyncadd.tile.s32 @!p0 $0x1;
	_ =	shalt  }
.Lfunc_end2:
_tile_overlayer_lowered:
.L_overlay_start_2:
0xd6: {  	(tag) =	ssettag $0x2  }
0xd7: {  	s0 =	rddreg [dreg:$0x0];
	s2 =	stileid.u32  }
0xd8: {  	s1 =	rddreg [dreg:$0x1];
	p0 =	sne.s32 s2, $0x0  }
0xd9: {  	s3 =	rddreg [dreg:$0x2];
	[bflag:$0x3] =	sbarrier.arrive $0xFFFF;
	s2 =	simm.s32 @!p0 $0x1C05  }
0xda: {  	[timem:s3], [sflag:s2] =	dma.local @!p0 [hbm:s0], s1  }
0xdb: {  	s0 =	simm.s32 @!p0 $0x5  }
0xdc: {  	_ =	swait.ge @!p0 [sflag:s0], s1  }
0xdd: {  	s1 =	ssub.s32 @!p0 $0x0, s1;
	[sflag:s0] =	ssyncset.done @!p0 $0x0  }
0xde: {  	[sflag:s0] =	ssyncadd.s32 @!p0 s1  }
0xdf: {  	[bflag:$0x3] =	sbarrier.arrive $0xFFFF  }
0xe0: {  	_ =	shalt  }

</sc_bundles>
